<compile_context>
chip_gen: v7x
topology: tpu7x:2x2x1
jax: 0.10.2.dev20260603
libtpu: 0.0.44.dev20260713+nightly
codegen_flags: <defaults>
</compile_context>

<pallas_src>
import functools

import jax
import jax.numpy as jnp
from jax import lax
from jax.experimental import pallas as pl
from jax.experimental.pallas import tpu as pltpu
from jax.experimental.pallas import tpu_sc as plsc

EMB = 64
HID = 128
P = 3
B = 4096


def _sc_gather3(user_tab, item_tab, users, pos, neg):
    info = plsc.get_sparse_core_info()
    _NC, _NS = info.num_cores, info.num_subcores
    _NW = _NC * _NS
    _BPW = B // _NW
    mesh = plsc.VectorSubcoreMesh(core_axis_name="c", subcore_axis_name="s")

    n_u = user_tab.shape[1]
    n_i = item_tab.shape[1]
    utab_flat = user_tab.reshape(P * n_u, HID)
    itab_flat = item_tab.reshape(P * n_i, HID)
    nj = 3 * P
    NBUF = 4

    @functools.partial(
        pl.kernel,
        mesh=mesh,
        out_type=[jax.ShapeDtypeStruct((B, HID), jnp.float32)] * nj,
        scratch_types=[
            pltpu.VMEM((nj, _BPW), jnp.int32),
            *([pltpu.VMEM((_BPW, HID), jnp.float32)] * NBUF),
            pltpu.SemaphoreType.DMA,
            pltpu.SemaphoreType.DMA,
            pltpu.SemaphoreType.DMA,
        ],
    )
    def gather3(utab, itab, u_idx, p_idx, n_idx, *rest):
        outs = rest[:nj]
        idx_all = rest[nj]
        bufs = list(rest[nj + 1:nj + 1 + NBUF])
        isem, gsem, osem = rest[nj + 1 + NBUF:]
        wid = lax.axis_index("s") * _NC + lax.axis_index("c")
        base = wid * _BPW
        idx_copies = [
            pltpu.make_async_copy(idx_hbm.at[pl.ds(base, _BPW)],
                                  idx_all.at[3 * g], isem)
            for g, idx_hbm in enumerate((u_idx, p_idx, n_idx))
        ]
        for c in idx_copies:
            c.start()
        for c in idx_copies:
            c.wait()
        for g, n_tab in enumerate((n_u, n_i, n_i)):
            for k in range(1, P):
                for m in range(_BPW // 16):
                    sl = pl.ds(m * 16, 16)
                    idx_all[3 * g + k, sl] = idx_all[3 * g, sl] + k * n_tab
        tabs = [utab] * P + [itab] * (2 * P)
        gathers = [
            pltpu.make_async_copy(tabs[j].at[idx_all.at[j]],
                                  bufs[j % NBUF], gsem)
            for j in range(nj)
        ]
        outcopies = [
            pltpu.make_async_copy(bufs[j % NBUF],
                                  outs[j].at[pl.ds(base, _BPW)], osem)
            for j in range(nj)
        ]
        for j in range(NBUF - 1):
            gathers[j].start()
        waited = [False] * nj
        for j in range(nj):
            gathers[j].wait()
            outcopies[j].start()
            if j + NBUF - 1 < nj:
                if j >= 1:
                    outcopies[j - 1].wait()
                    waited[j - 1] = True
                gathers[j + NBUF - 1].start()
        for j in range(nj):
            if not waited[j]:
                outcopies[j].wait()

    return gather3(utab_flat, itab_flat,
                   users.astype(jnp.int32), pos.astype(jnp.int32),
                   neg.astype(jnp.int32))


def _max3(a, b, c):
    return jnp.maximum(jnp.maximum(a, b), c)


def _dense_body(u0_ref, u1_ref, u2_ref, p0_ref, p1_ref, p2_ref,
                n0_ref, n1_ref, n2_ref, wu_ref, wi_ref, a_ref,
                pu_ref, pi_ref, nu_ref, ni_ref):
    wu = wu_ref[...]
    wi = wi_ref[...]
    a = a_ref[...]

    def proj_t(r, w):
        return lax.dot_general(w, r[...], (((0,), (1,)), ((), ())))

    proj_u = [proj_t(r, wu) for r in (u0_ref, u1_ref, u2_ref)]
    m_tmp = [lax.dot_general(a, x, (((0,), (0,)), ((), ()))) for x in proj_u]
    for i_refs, uo_ref, io_ref in (((p0_ref, p1_ref, p2_ref), pu_ref, pi_ref),
                                   ((n0_ref, n1_ref, n2_ref), nu_ref, ni_ref)):
        proj_i = [proj_t(r, wi) for r in i_refs]
        m = [[jnp.sum(m_tmp[p] * proj_i[q], axis=0, keepdims=True)
              for q in range(P)] for p in range(P)]
        u_logit = [_max3(m[p][0], m[p][1], m[p][2]) for p in range(P)]
        i_logit = [_max3(m[0][q], m[1][q], m[2][q]) for q in range(P)]
        um = _max3(*u_logit)
        ue = [jnp.exp(x - um) for x in u_logit]
        us = ue[0] + ue[1] + ue[2]
        uo_ref[...] = (ue[0] * proj_u[0] + ue[1] * proj_u[1]
                       + ue[2] * proj_u[2]) / us
        im = _max3(*i_logit)
        ie = [jnp.exp(x - im) for x in i_logit]
        isum = ie[0] + ie[1] + ie[2]
        io_ref[...] = (ie[0] * proj_i[0] + ie[1] * proj_i[1]
                       + ie[2] * proj_i[2]) / isum


def _dense_coattention(rows, W_u, W_i, A):
    BT = 1024
    row_spec = pl.BlockSpec((BT, HID), lambda i: (i, 0))
    full = lambda shape: pl.BlockSpec(shape, lambda i: (0, 0))
    return pl.pallas_call(
        _dense_body,
        grid=(B // BT,),
        in_specs=[row_spec] * 9 + [full((HID, EMB)), full((HID, EMB)),
                                   full((EMB, EMB))],
        out_specs=[pl.BlockSpec((EMB, BT), lambda i: (0, i))] * 4,
        out_shape=[jax.ShapeDtypeStruct((EMB, B), jnp.float32)] * 4,
    )(*rows, W_u, W_i, A)


def kernel(users, pos_items, neg_items, multi_user_embed, multi_item_embed,
           W_u, W_i, A):
    t_utab = jnp.transpose(multi_user_embed, (1, 0, 2))
    t_itab = jnp.transpose(multi_item_embed, (1, 0, 2))
    rows = _sc_gather3(
        t_utab, t_itab,
        users.astype(jnp.int32), pos_items.astype(jnp.int32),
        neg_items.astype(jnp.int32))
    pu, pi, nu, ni = _dense_coattention(rows, W_u, W_i, A)
    return (pu.T, pi.T, nu.T, ni.T)

# --- scband reference (transcript-rebuilt; emitter-appended) ---
"""Pipeline reference for scband-hgrec-18116172055022 (READ-ONLY COPY).

The authoritative reference and input builder live on the scoring server;
editing this copy changes nothing except your own understanding.
"""

import jax, jax.numpy as jnp
import numpy as np

N_USERS = 100000
N_ITEMS = 100000
EMB = 64
DEPTH = 1
HID = EMB * (DEPTH + 1)
P1 = 3  # number of user meta-paths
P2 = 3  # number of item meta-paths
B = 4096


def setup_inputs(seed: int = 0) -> dict:
    key = jax.random.key(seed)
    ks = jax.random.split(key, 8)
    return {
        "users": jax.random.randint(ks[0], (B,), 0, N_USERS),
        "pos_items": jax.random.randint(ks[1], (B,), 0, N_ITEMS),
        "neg_items": jax.random.randint(ks[2], (B,), 0, N_ITEMS),
        # precomputed multi-metapath GNN embeddings (output of dual_gnn_update_embed),
        # layer outputs concatenated across depth -> HID = emb_dim*(depth+1)
        "multi_user_embed": jax.random.normal(ks[3], (N_USERS, P1, HID), jnp.float32) * 0.1,
        "multi_item_embed": jax.random.normal(ks[4], (N_ITEMS, P2, HID), jnp.float32) * 0.1,
        # layer_trans_u / layer_trans_i (nn.Linear without bias, stored as [in, out])
        "W_u": jax.random.normal(ks[5], (HID, EMB), jnp.float32) * 0.05,
        "W_i": jax.random.normal(ks[6], (HID, EMB), jnp.float32) * 0.05,
        # bilinear co-attention matrix A
        "A": jax.random.normal(ks[7], (EMB, EMB), jnp.float32) * 0.1,
    }


def _co_attention_pair(u, i, W_u, W_i, A):
    # u: [B, P1, HID], i: [B, P2, HID]
    proj_u = u @ W_u  # [B, P1, EMB]
    proj_i = i @ W_i  # [B, P2, EMB]
    M_tmp = (proj_u.reshape(-1, EMB) @ A).reshape(-1, P1, EMB)
    # M_pos = bmm(M_tmp, proj_i^T) -> [B, P1, P2]
    M = jnp.einsum('bpd,bqd->bpq', M_tmp, proj_i)
    # co_attention_type == 'max'
    U_att = jax.nn.softmax(jnp.max(M, axis=2), axis=1)  # [B, P1]
    I_att = jax.nn.softmax(jnp.max(M, axis=1), axis=1)  # [B, P2]
    att_u = jnp.sum(U_att[:, :, None] * proj_u, axis=1)  # [B, EMB]
    att_i = jnp.sum(I_att[:, :, None] * proj_i, axis=1)  # [B, EMB]
    return att_u, att_i


def reference(users, pos_items, neg_items, multi_user_embed, multi_item_embed, W_u, W_i, A):
    # training-mode forward: gather per-metapath embeddings then co-attention interaction
    u_g = jnp.take(multi_user_embed, users, axis=0)       # [B, P1, HID]
    pos_i_g = jnp.take(multi_item_embed, pos_items, axis=0)  # [B, P2, HID]
    neg_i_g = jnp.take(multi_item_embed, neg_items, axis=0)  # [B, P2, HID]
    pos_u_att, pos_i_att = _co_attention_pair(u_g, pos_i_g, W_u, W_i, A)
    neg_u_att, neg_i_att = _co_attention_pair(u_g, neg_i_g, W_u, W_i, A)
    return (pos_u_att, pos_i_att, neg_u_att, neg_i_att)

if __name__ == "__main__":
    import jax
    _d = setup_inputs()
    print(jax.jit(kernel)(*tuple(_d.values())))

</pallas_src>

<mosaic_0001>
#map = affine_map<(d0, d1) -> (0, 0)>
#map1 = affine_map<(d0, d1) -> (0)>
module attributes {stable_mosaic.version = 14 : i64} {
  func.func @gather3(%arg0: i32, %arg1: i32, %arg2: memref<300000x128xf32, #tpu.memory_space<hbm>>, %arg3: memref<300000x128xf32, #tpu.memory_space<hbm>>, %arg4: memref<4096xi32, #tpu.memory_space<hbm>>, %arg5: memref<4096xi32, #tpu.memory_space<hbm>>, %arg6: memref<4096xi32, #tpu.memory_space<hbm>>, %arg7: memref<4096x128xf32, #tpu.memory_space<hbm>>, %arg8: memref<4096x128xf32, #tpu.memory_space<hbm>>, %arg9: memref<4096x128xf32, #tpu.memory_space<hbm>>, %arg10: memref<4096x128xf32, #tpu.memory_space<hbm>>, %arg11: memref<4096x128xf32, #tpu.memory_space<hbm>>, %arg12: memref<4096x128xf32, #tpu.memory_space<hbm>>, %arg13: memref<4096x128xf32, #tpu.memory_space<hbm>>, %arg14: memref<4096x128xf32, #tpu.memory_space<hbm>>, %arg15: memref<4096x128xf32, #tpu.memory_space<hbm>>, %arg16: memref<9x128xi32, #tpu.memory_space<vmem>>, %arg17: memref<128x128xf32, #tpu.memory_space<vmem>>, %arg18: memref<128x128xf32, #tpu.memory_space<vmem>>, %arg19: memref<128x128xf32, #tpu.memory_space<vmem>>, %arg20: memref<128x128xf32, #tpu.memory_space<vmem>>, %arg21: memref<!tpu.dma_semaphore, #tpu.memory_space<semaphore_mem>>, %arg22: memref<!tpu.dma_semaphore, #tpu.memory_space<semaphore_mem>>, %arg23: memref<!tpu.dma_semaphore, #tpu.memory_space<semaphore_mem>>) attributes {dimension_semantics = [#tpu.dimension_semantics<core_parallel>, #tpu.dimension_semantics<subcore_parallel>], iteration_bounds = array<i64: 2, 16>, scalar_prefetch = 0 : i64, scratch_operands = 8 : i64, tpu.core_type = #tpu.core_type<sc_vector_subcore>, window_params = [{transform_indices = #map}, {transform_indices = #map}, {transform_indices = #map1}, {transform_indices = #map1}, {transform_indices = #map1}, {transform_indices = #map}, {transform_indices = #map}, {transform_indices = #map}, {transform_indices = #map}, {transform_indices = #map}, {transform_indices = #map}, {transform_indices = #map}, {transform_indices = #map}, {transform_indices = #map}]} {
    %mul3A = arith.constant 2 : i32
    %mul3A_0 = arith.muli %arg1, %mul3A : i32
    %add3A = arith.addi %mul3A_0, %arg0 : i32
    %mul3A_1 = arith.constant 128 : i32
    %mul3A_2 = arith.muli %add3A, %mul3A_1 : i32
    %dma_start3A = arith.constant 0 : i32
    %dma_start3A_3 = arith.constant 0 : i32
    %dma_start3A_4 = tpu.memref_slice %arg16[%dma_start3A, %dma_start3A_3] : memref<9x128xi32, #tpu.memory_space<vmem>> -> memref<1x128xi32, #tpu.memory_space<vmem>>
    %dma_start3A_5 = tpu.memref_squeeze %dma_start3A_4 : memref<1x128xi32, #tpu.memory_space<vmem>> -> memref<128xi32, #tpu.memory_space<vmem>>
    %dma_start3A_6 = tpu.memref_slice %arg4[%mul3A_2] : memref<4096xi32, #tpu.memory_space<hbm>> -> memref<128xi32, #tpu.memory_space<hbm>>
    %dma_start3A_7 = arith.constant 0 : i32
    %dma_start3A_8 = tpu.memref_slice %arg16[%dma_start3A, %dma_start3A_7] : memref<9x128xi32, #tpu.memory_space<vmem>> -> memref<1x128xi32, #tpu.memory_space<vmem>>
    %dma_start3A_9 = tpu.memref_squeeze %dma_start3A_8 : memref<1x128xi32, #tpu.memory_space<vmem>> -> memref<128xi32, #tpu.memory_space<vmem>>
    %dma_start3A_10 = tpu.memref_slice %arg4[%mul3A_2] : memref<4096xi32, #tpu.memory_space<hbm>> -> memref<128xi32, #tpu.memory_space<hbm>>
    tpu.enqueue_dma source(%dma_start3A_10 : memref<128xi32, #tpu.memory_space<hbm>>) target(%dma_start3A_9 : memref<128xi32, #tpu.memory_space<vmem>>) target_semaphore(%arg21 : memref<!tpu.dma_semaphore, #tpu.memory_space<semaphore_mem>>)
    %dma_start3A_11 = arith.constant 3 : i32
    %dma_start3A_12 = arith.constant 0 : i32
    %dma_start3A_13 = tpu.memref_slice %arg16[%dma_start3A_11, %dma_start3A_12] : memref<9x128xi32, #tpu.memory_space<vmem>> -> memref<1x128xi32, #tpu.memory_space<vmem>>
    %dma_start3A_14 = tpu.memref_squeeze %dma_start3A_13 : memref<1x128xi32, #tpu.memory_space<vmem>> -> memref<128xi32, #tpu.memory_space<vmem>>
    %dma_start3A_15 = tpu.memref_slice %arg5[%mul3A_2] : memref<4096xi32, #tpu.memory_space<hbm>> -> memref<128xi32, #tpu.memory_space<hbm>>
    %dma_start3A_16 = arith.constant 0 : i32
    %dma_start3A_17 = tpu.memref_slice %arg16[%dma_start3A_11, %dma_start3A_16] : memref<9x128xi32, #tpu.memory_space<vmem>> -> memref<1x128xi32, #tpu.memory_space<vmem>>
    %dma_start3A_18 = tpu.memref_squeeze %dma_start3A_17 : memref<1x128xi32, #tpu.memory_space<vmem>> -> memref<128xi32, #tpu.memory_space<vmem>>
    %dma_start3A_19 = tpu.memref_slice %arg5[%mul3A_2] : memref<4096xi32, #tpu.memory_space<hbm>> -> memref<128xi32, #tpu.memory_space<hbm>>
    tpu.enqueue_dma source(%dma_start3A_19 : memref<128xi32, #tpu.memory_space<hbm>>) target(%dma_start3A_18 : memref<128xi32, #tpu.memory_space<vmem>>) target_semaphore(%arg21 : memref<!tpu.dma_semaphore, #tpu.memory_space<semaphore_mem>>)
    %dma_start3A_20 = arith.constant 6 : i32
    %dma_start3A_21 = arith.constant 0 : i32
    %dma_start3A_22 = tpu.memref_slice %arg16[%dma_start3A_20, %dma_start3A_21] : memref<9x128xi32, #tpu.memory_space<vmem>> -> memref<1x128xi32, #tpu.memory_space<vmem>>
    %dma_start3A_23 = tpu.memref_squeeze %dma_start3A_22 : memref<1x128xi32, #tpu.memory_space<vmem>> -> memref<128xi32, #tpu.memory_space<vmem>>
    %dma_start3A_24 = tpu.memref_slice %arg6[%mul3A_2] : memref<4096xi32, #tpu.memory_space<hbm>> -> memref<128xi32, #tpu.memory_space<hbm>>
    %dma_start3A_25 = arith.constant 0 : i32
    %dma_start3A_26 = tpu.memref_slice %arg16[%dma_start3A_20, %dma_start3A_25] : memref<9x128xi32, #tpu.memory_space<vmem>> -> memref<1x128xi32, #tpu.memory_space<vmem>>
    %dma_start3A_27 = tpu.memref_squeeze %dma_start3A_26 : memref<1x128xi32, #tpu.memory_space<vmem>> -> memref<128xi32, #tpu.memory_space<vmem>>
    %dma_start3A_28 = tpu.memref_slice %arg6[%mul3A_2] : memref<4096xi32, #tpu.memory_space<hbm>> -> memref<128xi32, #tpu.memory_space<hbm>>
    tpu.enqueue_dma source(%dma_start3A_28 : memref<128xi32, #tpu.memory_space<hbm>>) target(%dma_start3A_27 : memref<128xi32, #tpu.memory_space<vmem>>) target_semaphore(%arg21 : memref<!tpu.dma_semaphore, #tpu.memory_space<semaphore_mem>>)
    %dma_wait3A = arith.constant 0 : i32
    %dma_wait3A_29 = arith.constant 0 : i32
    %dma_wait3A_30 = tpu.memref_slice %arg16[%dma_wait3A, %dma_wait3A_29] : memref<9x128xi32, #tpu.memory_space<vmem>> -> memref<1x128xi32, #tpu.memory_space<vmem>>
    %dma_wait3A_31 = tpu.memref_squeeze %dma_wait3A_30 : memref<1x128xi32, #tpu.memory_space<vmem>> -> memref<128xi32, #tpu.memory_space<vmem>>
    %dma_wait3A_32 = tpu.memref_slice %arg4[%mul3A_2] : memref<4096xi32, #tpu.memory_space<hbm>> -> memref<128xi32, #tpu.memory_space<hbm>>
    %dma_wait3A_33 = arith.constant 0 : i32
    %dma_wait3A_34 = tpu.memref_slice %arg16[%dma_wait3A, %dma_wait3A_33] : memref<9x128xi32, #tpu.memory_space<vmem>> -> memref<1x128xi32, #tpu.memory_space<vmem>>
    %dma_wait3A_35 = tpu.memref_squeeze %dma_wait3A_34 : memref<1x128xi32, #tpu.memory_space<vmem>> -> memref<128xi32, #tpu.memory_space<vmem>>
    %dma_wait3A_36 = tpu.memref_slice %arg4[%mul3A_2] : memref<4096xi32, #tpu.memory_space<hbm>> -> memref<128xi32, #tpu.memory_space<hbm>>
    tpu.wait_dma2 semaphore(%arg21 : memref<!tpu.dma_semaphore, #tpu.memory_space<semaphore_mem>>) src(%dma_wait3A_36 : memref<128xi32, #tpu.memory_space<hbm>>) dst(%dma_wait3A_35 : memref<128xi32, #tpu.memory_space<vmem>>)
    %dma_wait3A_37 = arith.constant 3 : i32
    %dma_wait3A_38 = arith.constant 0 : i32
    %dma_wait3A_39 = tpu.memref_slice %arg16[%dma_wait3A_37, %dma_wait3A_38] : memref<9x128xi32, #tpu.memory_space<vmem>> -> memref<1x128xi32, #tpu.memory_space<vmem>>
    %dma_wait3A_40 = tpu.memref_squeeze %dma_wait3A_39 : memref<1x128xi32, #tpu.memory_space<vmem>> -> memref<128xi32, #tpu.memory_space<vmem>>
    %dma_wait3A_41 = tpu.memref_slice %arg5[%mul3A_2] : memref<4096xi32, #tpu.memory_space<hbm>> -> memref<128xi32, #tpu.memory_space<hbm>>
    %dma_wait3A_42 = arith.constant 0 : i32
    %dma_wait3A_43 = tpu.memref_slice %arg16[%dma_wait3A_37, %dma_wait3A_42] : memref<9x128xi32, #tpu.memory_space<vmem>> -> memref<1x128xi32, #tpu.memory_space<vmem>>
    %dma_wait3A_44 = tpu.memref_squeeze %dma_wait3A_43 : memref<1x128xi32, #tpu.memory_space<vmem>> -> memref<128xi32, #tpu.memory_space<vmem>>
    %dma_wait3A_45 = tpu.memref_slice %arg5[%mul3A_2] : memref<4096xi32, #tpu.memory_space<hbm>> -> memref<128xi32, #tpu.memory_space<hbm>>
    tpu.wait_dma2 semaphore(%arg21 : memref<!tpu.dma_semaphore, #tpu.memory_space<semaphore_mem>>) src(%dma_wait3A_45 : memref<128xi32, #tpu.memory_space<hbm>>) dst(%dma_wait3A_44 : memref<128xi32, #tpu.memory_space<vmem>>)
    %dma_wait3A_46 = arith.constant 6 : i32
    %dma_wait3A_47 = arith.constant 0 : i32
    %dma_wait3A_48 = tpu.memref_slice %arg16[%dma_wait3A_46, %dma_wait3A_47] : memref<9x128xi32, #tpu.memory_space<vmem>> -> memref<1x128xi32, #tpu.memory_space<vmem>>
    %dma_wait3A_49 = tpu.memref_squeeze %dma_wait3A_48 : memref<1x128xi32, #tpu.memory_space<vmem>> -> memref<128xi32, #tpu.memory_space<vmem>>
    %dma_wait3A_50 = tpu.memref_slice %arg6[%mul3A_2] : memref<4096xi32, #tpu.memory_space<hbm>> -> memref<128xi32, #tpu.memory_space<hbm>>
    %dma_wait3A_51 = arith.constant 0 : i32
    %dma_wait3A_52 = tpu.memref_slice %arg16[%dma_wait3A_46, %dma_wait3A_51] : memref<9x128xi32, #tpu.memory_space<vmem>> -> memref<1x128xi32, #tpu.memory_space<vmem>>
    %dma_wait3A_53 = tpu.memref_squeeze %dma_wait3A_52 : memref<1x128xi32, #tpu.memory_space<vmem>> -> memref<128xi32, #tpu.memory_space<vmem>>
    %dma_wait3A_54 = tpu.memref_slice %arg6[%mul3A_2] : memref<4096xi32, #tpu.memory_space<hbm>> -> memref<128xi32, #tpu.memory_space<hbm>>
    tpu.wait_dma2 semaphore(%arg21 : memref<!tpu.dma_semaphore, #tpu.memory_space<semaphore_mem>>) src(%dma_wait3A_54 : memref<128xi32, #tpu.memory_space<hbm>>) dst(%dma_wait3A_53 : memref<128xi32, #tpu.memory_space<vmem>>)
    %get3A = arith.constant 0 : i32
    %get3A_55 = arith.index_cast %get3A : i32 to index
    %get3A_56 = arith.constant 0 : index
    %get3A_57 = tpu.vector_load %arg16[%get3A_55, %get3A_56] {strides = array<i32>} : memref<9x128xi32, #tpu.memory_space<vmem>>, vector<1x16xi32>,
    %get3A_58 = vector.shape_cast %get3A_57 : vector<1x16xi32> to vector<16xi32>
    %add3A_59 = arith.constant 100000 : i32
    %add3A_60 = vector.broadcast %add3A_59 : i32 to vector<16xi32>
    %add3A_61 = arith.addi %get3A_58, %add3A_60 : vector<16xi32>
    %swap3A = arith.constant 1 : i32
    %swap3A_62 = arith.index_cast %swap3A : i32 to index
    %swap3A_63 = arith.constant 0 : index
    %swap3A_64 = tpu.vector_load %arg16[%swap3A_62, %swap3A_63] {strides = array<i32>} : memref<9x128xi32, #tpu.memory_space<vmem>>, vector<1x16xi32>,
    %swap3A_65 = vector.shape_cast %swap3A_64 : vector<1x16xi32> to vector<16xi32>
    %swap3A_66 = vector.shape_cast %add3A_61 : vector<16xi32> to vector<1x16xi32>
    tpu.vector_store %arg16[%swap3A_62, %swap3A_63], %swap3A_66 {strides = array<i32>} : memref<9x128xi32, #tpu.memory_space<vmem>>, vector<1x16xi32>,
    %get3A_67 = arith.constant 0 : i32
    %get3A_68 = arith.index_cast %get3A_67 : i32 to index
    %get3A_69 = arith.constant 16 : index
    %get3A_70 = tpu.vector_load %arg16[%get3A_68, %get3A_69] {strides = array<i32>} : memref<9x128xi32, #tpu.memory_space<vmem>>, vector<1x16xi32>,
    %get3A_71 = vector.shape_cast %get3A_70 : vector<1x16xi32> to vector<16xi32>
    %add3A_72 = arith.constant 100000 : i32
    %add3A_73 = vector.broadcast %add3A_72 : i32 to vector<16xi32>
    %add3A_74 = arith.addi %get3A_71, %add3A_73 : vector<16xi32>
    %swap3A_75 = arith.constant 1 : i32
    %swap3A_76 = arith.index_cast %swap3A_75 : i32 to index
    %swap3A_77 = arith.constant 16 : index
    %swap3A_78 = tpu.vector_load %arg16[%swap3A_76, %swap3A_77] {strides = array<i32>} : memref<9x128xi32, #tpu.memory_space<vmem>>, vector<1x16xi32>,
    %swap3A_79 = vector.shape_cast %swap3A_78 : vector<1x16xi32> to vector<16xi32>
    %swap3A_80 = vector.shape_cast %add3A_74 : vector<16xi32> to vector<1x16xi32>
    tpu.vector_store %arg16[%swap3A_76, %swap3A_77], %swap3A_80 {strides = array<i32>} : memref<9x128xi32, #tpu.memory_space<vmem>>, vector<1x16xi32>,
    %get3A_81 = arith.constant 0 : i32
    %get3A_82 = arith.index_cast %get3A_81 : i32 to index
    %get3A_83 = arith.constant 32 : index
    %get3A_84 = tpu.vector_load %arg16[%get3A_82, %get3A_83] {strides = array<i32>} : memref<9x128xi32, #tpu.memory_space<vmem>>, vector<1x16xi32>,
    %get3A_85 = vector.shape_cast %get3A_84 : vector<1x16xi32> to vector<16xi32>
    %add3A_86 = arith.constant 100000 : i32
    %add3A_87 = vector.broadcast %add3A_86 : i32 to vector<16xi32>
    %add3A_88 = arith.addi %get3A_85, %add3A_87 : vector<16xi32>
    %swap3A_89 = arith.constant 1 : i32
    %swap3A_90 = arith.index_cast %swap3A_89 : i32 to index
    %swap3A_91 = arith.constant 32 : index
    %swap3A_92 = tpu.vector_load %arg16[%swap3A_90, %swap3A_91] {strides = array<i32>} : memref<9x128xi32, #tpu.memory_space<vmem>>, vector<1x16xi32>,
    %swap3A_93 = vector.shape_cast %swap3A_92 : vector<1x16xi32> to vector<16xi32>
    %swap3A_94 = vector.shape_cast %add3A_88 : vector<16xi32> to vector<1x16xi32>
    tpu.vector_store %arg16[%swap3A_90, %swap3A_91], %swap3A_94 {strides = array<i32>} : memref<9x128xi32, #tpu.memory_space<vmem>>, vector<1x16xi32>,
    %get3A_95 = arith.constant 0 : i32
    %get3A_96 = arith.index_cast %get3A_95 : i32 to index
    %get3A_97 = arith.constant 48 : index
    %get3A_98 = tpu.vector_load %arg16[%get3A_96, %get3A_97] {strides = array<i32>} : memref<9x128xi32, #tpu.memory_space<vmem>>, vector<1x16xi32>,
    %get3A_99 = vector.shape_cast %get3A_98 : vector<1x16xi32> to vector<16xi32>
    %add3A_100 = arith.constant 100000 : i32
    %add3A_101 = vector.broadcast %add3A_100 : i32 to vector<16xi32>
    %add3A_102 = arith.addi %get3A_99, %add3A_101 : vector<16xi32>
    %swap3A_103 = arith.constant 1 : i32
    %swap3A_104 = arith.index_cast %swap3A_103 : i32 to index
    %swap3A_105 = arith.constant 48 : index
    %swap3A_106 = tpu.vector_load %arg16[%swap3A_104, %swap3A_105] {strides = array<i32>} : memref<9x128xi32, #tpu.memory_space<vmem>>, vector<1x16xi32>,
    %swap3A_107 = vector.shape_cast %swap3A_106 : vector<1x16xi32> to vector<16xi32>
    %swap3A_108 = vector.shape_cast %add3A_102 : vector<16xi32> to vector<1x16xi32>
    tpu.vector_store %arg16[%swap3A_104, %swap3A_105], %swap3A_108 {strides = array<i32>} : memref<9x128xi32, #tpu.memory_space<vmem>>, vector<1x16xi32>,
    %get3A_109 = arith.constant 0 : i32
    %get3A_110 = arith.index_cast %get3A_109 : i32 to index
    %get3A_111 = arith.constant 64 : index
    %get3A_112 = tpu.vector_load %arg16[%get3A_110, %get3A_111] {strides = array<i32>} : memref<9x128xi32, #tpu.memory_space<vmem>>, vector<1x16xi32>,
    %get3A_113 = vector.shape_cast %get3A_112 : vector<1x16xi32> to vector<16xi32>
    %add3A_114 = arith.constant 100000 : i32
    %add3A_115 = vector.broadcast %add3A_114 : i32 to vector<16xi32>
    %add3A_116 = arith.addi %get3A_113, %add3A_115 : vector<16xi32>
    %swap3A_117 = arith.constant 1 : i32
    %swap3A_118 = arith.index_cast %swap3A_117 : i32 to index
    %swap3A_119 = arith.constant 64 : index
    %swap3A_120 = tpu.vector_load %arg16[%swap3A_118, %swap3A_119] {strides = array<i32>} : memref<9x128xi32, #tpu.memory_space<vmem>>, vector<1x16xi32>,
    %swap3A_121 = vector.shape_cast %swap3A_120 : vector<1x16xi32> to vector<16xi32>
    %swap3A_122 = vector.shape_cast %add3A_116 : vector<16xi32> to vector<1x16xi32>
    tpu.vector_store %arg16[%swap3A_118, %swap3A_119], %swap3A_122 {strides = array<i32>} : memref<9x128xi32, #tpu.memory_space<vmem>>, vector<1x16xi32>,
    %get3A_123 = arith.constant 0 : i32
    %get3A_124 = arith.index_cast %get3A_123 : i32 to index
    %get3A_125 = arith.constant 80 : index
    %get3A_126 = tpu.vector_load %arg16[%get3A_124, %get3A_125] {strides = array<i32>} : memref<9x128xi32, #tpu.memory_space<vmem>>, vector<1x16xi32>,
    %get3A_127 = vector.shape_cast %get3A_126 : vector<1x16xi32> to vector<16xi32>
    %add3A_128 = arith.constant 100000 : i32
    %add3A_129 = vector.broadcast %add3A_128 : i32 to vector<16xi32>
    %add3A_130 = arith.addi %get3A_127, %add3A_129 : vector<16xi32>
    %swap3A_131 = arith.constant 1 : i32
    %swap3A_132 = arith.index_cast %swap3A_131 : i32 to index
    %swap3A_133 = arith.constant 80 : index
    %swap3A_134 = tpu.vector_load %arg16[%swap3A_132, %swap3A_133] {strides = array<i32>} : memref<9x128xi32, #tpu.memory_space<vmem>>, vector<1x16xi32>,
    %swap3A_135 = vector.shape_cast %swap3A_134 : vector<1x16xi32> to vector<16xi32>
    %swap3A_136 = vector.shape_cast %add3A_130 : vector<16xi32> to vector<1x16xi32>
    tpu.vector_store %arg16[%swap3A_132, %swap3A_133], %swap3A_136 {strides = array<i32>} : memref<9x128xi32, #tpu.memory_space<vmem>>, vector<1x16xi32>,
    %get3A_137 = arith.constant 0 : i32
    %get3A_138 = arith.index_cast %get3A_137 : i32 to index
    %get3A_139 = arith.constant 96 : index
    %get3A_140 = tpu.vector_load %arg16[%get3A_138, %get3A_139] {strides = array<i32>} : memref<9x128xi32, #tpu.memory_space<vmem>>, vector<1x16xi32>,
    %get3A_141 = vector.shape_cast %get3A_140 : vector<1x16xi32> to vector<16xi32>
    %add3A_142 = arith.constant 100000 : i32
    %add3A_143 = vector.broadcast %add3A_142 : i32 to vector<16xi32>
    %add3A_144 = arith.addi %get3A_141, %add3A_143 : vector<16xi32>
    %swap3A_145 = arith.constant 1 : i32
    %swap3A_146 = arith.index_cast %swap3A_145 : i32 to index
    %swap3A_147 = arith.constant 96 : index
    %swap3A_148 = tpu.vector_load %arg16[%swap3A_146, %swap3A_147] {strides = array<i32>} : memref<9x128xi32, #tpu.memory_space<vmem>>, vector<1x16xi32>,
    %swap3A_149 = vector.shape_cast %swap3A_148 : vector<1x16xi32> to vector<16xi32>
    %swap3A_150 = vector.shape_cast %add3A_144 : vector<16xi32> to vector<1x16xi32>
    tpu.vector_store %arg16[%swap3A_146, %swap3A_147], %swap3A_150 {strides = array<i32>} : memref<9x128xi32, #tpu.memory_space<vmem>>, vector<1x16xi32>,
    %get3A_151 = arith.constant 0 : i32
    %get3A_152 = arith.index_cast %get3A_151 : i32 to index
    %get3A_153 = arith.constant 112 : index
    %get3A_154 = tpu.vector_load %arg16[%get3A_152, %get3A_153] {strides = array<i32>} : memref<9x128xi32, #tpu.memory_space<vmem>>, vector<1x16xi32>,
    %get3A_155 = vector.shape_cast %get3A_154 : vector<1x16xi32> to vector<16xi32>
    %add3A_156 = arith.constant 100000 : i32
    %add3A_157 = vector.broadcast %add3A_156 : i32 to vector<16xi32>
    %add3A_158 = arith.addi %get3A_155, %add3A_157 : vector<16xi32>
    %swap3A_159 = arith.constant 1 : i32
    %swap3A_160 = arith.index_cast %swap3A_159 : i32 to index
    %swap3A_161 = arith.constant 112 : index
    %swap3A_162 = tpu.vector_load %arg16[%swap3A_160, %swap3A_161] {strides = array<i32>} : memref<9x128xi32, #tpu.memory_space<vmem>>, vector<1x16xi32>,
    %swap3A_163 = vector.shape_cast %swap3A_162 : vector<1x16xi32> to vector<16xi32>
    %swap3A_164 = vector.shape_cast %add3A_158 : vector<16xi32> to vector<1x16xi32>
    tpu.vector_store %arg16[%swap3A_160, %swap3A_161], %swap3A_164 {strides = array<i32>} : memref<9x128xi32, #tpu.memory_space<vmem>>, vector<1x16xi32>,
    %get3A_165 = arith.constant 0 : i32
    %get3A_166 = arith.index_cast %get3A_165 : i32 to index
    %get3A_167 = arith.constant 0 : index
    %get3A_168 = tpu.vector_load %arg16[%get3A_166, %get3A_167] {strides = array<i32>} : memref<9x128xi32, #tpu.memory_space<vmem>>, vector<1x16xi32>,
    %get3A_169 = vector.shape_cast %get3A_168 : vector<1x16xi32> to vector<16xi32>
    %add3A_170 = arith.constant 200000 : i32
    %add3A_171 = vector.broadcast %add3A_170 : i32 to vector<16xi32>
    %add3A_172 = arith.addi %get3A_169, %add3A_171 : vector<16xi32>
    %swap3A_173 = arith.constant 2 : i32
    %swap3A_174 = arith.index_cast %swap3A_173 : i32 to index
    %swap3A_175 = arith.constant 0 : index
    %swap3A_176 = tpu.vector_load %arg16[%swap3A_174, %swap3A_175] {strides = array<i32>} : memref<9x128xi32, #tpu.memory_space<vmem>>, vector<1x16xi32>,
    %swap3A_177 = vector.shape_cast %swap3A_176 : vector<1x16xi32> to vector<16xi32>
    %swap3A_178 = vector.shape_cast %add3A_172 : vector<16xi32> to vector<1x16xi32>
    tpu.vector_store %arg16[%swap3A_174, %swap3A_175], %swap3A_178 {strides = array<i32>} : memref<9x128xi32, #tpu.memory_space<vmem>>, vector<1x16xi32>,
    %get3A_179 = arith.constant 0 : i32
    %get3A_180 = arith.index_cast %get3A_179 : i32 to index
    %get3A_181 = arith.constant 16 : index
    %get3A_182 = tpu.vector_load %arg16[%get3A_180, %get3A_181] {strides = array<i32>} : memref<9x128xi32, #tpu.memory_space<vmem>>, vector<1x16xi32>,
    %get3A_183 = vector.shape_cast %get3A_182 : vector<1x16xi32> to vector<16xi32>
    %add3A_184 = arith.constant 200000 : i32
    %add3A_185 = vector.broadcast %add3A_184 : i32 to vector<16xi32>
    %add3A_186 = arith.addi %get3A_183, %add3A_185 : vector<16xi32>
    %swap3A_187 = arith.constant 2 : i32
    %swap3A_188 = arith.index_cast %swap3A_187 : i32 to index
    %swap3A_189 = arith.constant 16 : index
    %swap3A_190 = tpu.vector_load %arg16[%swap3A_188, %swap3A_189] {strides = array<i32>} : memref<9x128xi32, #tpu.memory_space<vmem>>, vector<1x16xi32>,
    %swap3A_191 = vector.shape_cast %swap3A_190 : vector<1x16xi32> to vector<16xi32>
    %swap3A_192 = vector.shape_cast %add3A_186 : vector<16xi32> to vector<1x16xi32>
    tpu.vector_store %arg16[%swap3A_188, %swap3A_189], %swap3A_192 {strides = array<i32>} : memref<9x128xi32, #tpu.memory_space<vmem>>, vector<1x16xi32>,
    %get3A_193 = arith.constant 0 : i32
    %get3A_194 = arith.index_cast %get3A_193 : i32 to index
    %get3A_195 = arith.constant 32 : index
    %get3A_196 = tpu.vector_load %arg16[%get3A_194, %get3A_195] {strides = array<i32>} : memref<9x128xi32, #tpu.memory_space<vmem>>, vector<1x16xi32>,
    %get3A_197 = vector.shape_cast %get3A_196 : vector<1x16xi32> to vector<16xi32>
    %add3A_198 = arith.constant 200000 : i32
    %add3A_199 = vector.broadcast %add3A_198 : i32 to vector<16xi32>
    %add3A_200 = arith.addi %get3A_197, %add3A_199 : vector<16xi32>
    %swap3A_201 = arith.constant 2 : i32
    %swap3A_202 = arith.index_cast %swap3A_201 : i32 to index
    %swap3A_203 = arith.constant 32 : index
    %swap3A_204 = tpu.vector_load %arg16[%swap3A_202, %swap3A_203] {strides = array<i32>} : memref<9x128xi32, #tpu.memory_space<vmem>>, vector<1x16xi32>,
    %swap3A_205 = vector.shape_cast %swap3A_204 : vector<1x16xi32> to vector<16xi32>
    %swap3A_206 = vector.shape_cast %add3A_200 : vector<16xi32> to vector<1x16xi32>
    tpu.vector_store %arg16[%swap3A_202, %swap3A_203], %swap3A_206 {strides = array<i32>} : memref<9x128xi32, #tpu.memory_space<vmem>>, vector<1x16xi32>,
    %get3A_207 = arith.constant 0 : i32
    %get3A_208 = arith.index_cast %get3A_207 : i32 to index
    %get3A_209 = arith.constant 48 : index
    %get3A_210 = tpu.vector_load %arg16[%get3A_208, %get3A_209] {strides = array<i32>} : memref<9x128xi32, #tpu.memory_space<vmem>>, vector<1x16xi32>,
    %get3A_211 = vector.shape_cast %get3A_210 : vector<1x16xi32> to vector<16xi32>
    %add3A_212 = arith.constant 200000 : i32
    %add3A_213 = vector.broadcast %add3A_212 : i32 to vector<16xi32>
    %add3A_214 = arith.addi %get3A_211, %add3A_213 : vector<16xi32>
    %swap3A_215 = arith.constant 2 : i32
    %swap3A_216 = arith.index_cast %swap3A_215 : i32 to index
    %swap3A_217 = arith.constant 48 : index
    %swap3A_218 = tpu.vector_load %arg16[%swap3A_216, %swap3A_217] {strides = array<i32>} : memref<9x128xi32, #tpu.memory_space<vmem>>, vector<1x16xi32>,
    %swap3A_219 = vector.shape_cast %swap3A_218 : vector<1x16xi32> to vector<16xi32>
    %swap3A_220 = vector.shape_cast %add3A_214 : vector<16xi32> to vector<1x16xi32>
    tpu.vector_store %arg16[%swap3A_216, %swap3A_217], %swap3A_220 {strides = array<i32>} : memref<9x128xi32, #tpu.memory_space<vmem>>, vector<1x16xi32>,
    %get3A_221 = arith.constant 0 : i32
    %get3A_222 = arith.index_cast %get3A_221 : i32 to index
    %get3A_223 = arith.constant 64 : index
    %get3A_224 = tpu.vector_load %arg16[%get3A_222, %get3A_223] {strides = array<i32>} : memref<9x128xi32, #tpu.memory_space<vmem>>, vector<1x16xi32>,
    %get3A_225 = vector.shape_cast %get3A_224 : vector<1x16xi32> to vector<16xi32>
    %add3A_226 = arith.constant 200000 : i32
    %add3A_227 = vector.broadcast %add3A_226 : i32 to vector<16xi32>
    %add3A_228 = arith.addi %get3A_225, %add3A_227 : vector<16xi32>
    %swap3A_229 = arith.constant 2 : i32
    %swap3A_230 = arith.index_cast %swap3A_229 : i32 to index
    %swap3A_231 = arith.constant 64 : index
    %swap3A_232 = tpu.vector_load %arg16[%swap3A_230, %swap3A_231] {strides = array<i32>} : memref<9x128xi32, #tpu.memory_space<vmem>>, vector<1x16xi32>,
    %swap3A_233 = vector.shape_cast %swap3A_232 : vector<1x16xi32> to vector<16xi32>
    %swap3A_234 = vector.shape_cast %add3A_228 : vector<16xi32> to vector<1x16xi32>
    tpu.vector_store %arg16[%swap3A_230, %swap3A_231], %swap3A_234 {strides = array<i32>} : memref<9x128xi32, #tpu.memory_space<vmem>>, vector<1x16xi32>,
    %get3A_235 = arith.constant 0 : i32
    %get3A_236 = arith.index_cast %get3A_235 : i32 to index
    %get3A_237 = arith.constant 80 : index
    %get3A_238 = tpu.vector_load %arg16[%get3A_236, %get3A_237] {strides = array<i32>} : memref<9x128xi32, #tpu.memory_space<vmem>>, vector<1x16xi32>,
    %get3A_239 = vector.shape_cast %get3A_238 : vector<1x16xi32> to vector<16xi32>
    %add3A_240 = arith.constant 200000 : i32
    %add3A_241 = vector.broadcast %add3A_240 : i32 to vector<16xi32>
    %add3A_242 = arith.addi %get3A_239, %add3A_241 : vector<16xi32>
    %swap3A_243 = arith.constant 2 : i32
    %swap3A_244 = arith.index_cast %swap3A_243 : i32 to index
    %swap3A_245 = arith.constant 80 : index
    %swap3A_246 = tpu.vector_load %arg16[%swap3A_244, %swap3A_245] {strides = array<i32>} : memref<9x128xi32, #tpu.memory_space<vmem>>, vector<1x16xi32>,
    %swap3A_247 = vector.shape_cast %swap3A_246 : vector<1x16xi32> to vector<16xi32>
    %swap3A_248 = vector.shape_cast %add3A_242 : vector<16xi32> to vector<1x16xi32>
    tpu.vector_store %arg16[%swap3A_244, %swap3A_245], %swap3A_248 {strides = array<i32>} : memref<9x128xi32, #tpu.memory_space<vmem>>, vector<1x16xi32>,
    %get3A_249 = arith.constant 0 : i32
    %get3A_250 = arith.index_cast %get3A_249 : i32 to index
    %get3A_251 = arith.constant 96 : index
    %get3A_252 = tpu.vector_load %arg16[%get3A_250, %get3A_251] {strides = array<i32>} : memref<9x128xi32, #tpu.memory_space<vmem>>, vector<1x16xi32>,
    %get3A_253 = vector.shape_cast %get3A_252 : vector<1x16xi32> to vector<16xi32>
    %add3A_254 = arith.constant 200000 : i32
    %add3A_255 = vector.broadcast %add3A_254 : i32 to vector<16xi32>
    %add3A_256 = arith.addi %get3A_253, %add3A_255 : vector<16xi32>
    %swap3A_257 = arith.constant 2 : i32
    %swap3A_258 = arith.index_cast %swap3A_257 : i32 to index
    %swap3A_259 = arith.constant 96 : index
    %swap3A_260 = tpu.vector_load %arg16[%swap3A_258, %swap3A_259] {strides = array<i32>} : memref<9x128xi32, #tpu.memory_space<vmem>>, vector<1x16xi32>,
    %swap3A_261 = vector.shape_cast %swap3A_260 : vector<1x16xi32> to vector<16xi32>
    %swap3A_262 = vector.shape_cast %add3A_256 : vector<16xi32> to vector<1x16xi32>
    tpu.vector_store %arg16[%swap3A_258, %swap3A_259], %swap3A_262 {strides = array<i32>} : memref<9x128xi32, #tpu.memory_space<vmem>>, vector<1x16xi32>,
    %get3A_263 = arith.constant 0 : i32
    %get3A_264 = arith.index_cast %get3A_263 : i32 to index
    %get3A_265 = arith.constant 112 : index
    %get3A_266 = tpu.vector_load %arg16[%get3A_264, %get3A_265] {strides = array<i32>} : memref<9x128xi32, #tpu.memory_space<vmem>>, vector<1x16xi32>,
    %get3A_267 = vector.shape_cast %get3A_266 : vector<1x16xi32> to vector<16xi32>
    %add3A_268 = arith.constant 200000 : i32
    %add3A_269 = vector.broadcast %add3A_268 : i32 to vector<16xi32>
    %add3A_270 = arith.addi %get3A_267, %add3A_269 : vector<16xi32>
    %swap3A_271 = arith.constant 2 : i32
    %swap3A_272 = arith.index_cast %swap3A_271 : i32 to index
    %swap3A_273 = arith.constant 112 : index
    %swap3A_274 = tpu.vector_load %arg16[%swap3A_272, %swap3A_273] {strides = array<i32>} : memref<9x128xi32, #tpu.memory_space<vmem>>, vector<1x16xi32>,
    %swap3A_275 = vector.shape_cast %swap3A_274 : vector<1x16xi32> to vector<16xi32>
    %swap3A_276 = vector.shape_cast %add3A_270 : vector<16xi32> to vector<1x16xi32>
    tpu.vector_store %arg16[%swap3A_272, %swap3A_273], %swap3A_276 {strides = array<i32>} : memref<9x128xi32, #tpu.memory_space<vmem>>, vector<1x16xi32>,
    %get3A_277 = arith.constant 3 : i32
    %get3A_278 = arith.index_cast %get3A_277 : i32 to index
    %get3A_279 = arith.constant 0 : index
    %get3A_280 = tpu.vector_load %arg16[%get3A_278, %get3A_279] {strides = array<i32>} : memref<9x128xi32, #tpu.memory_space<vmem>>, vector<1x16xi32>,
    %get3A_281 = vector.shape_cast %get3A_280 : vector<1x16xi32> to vector<16xi32>
    %add3A_282 = arith.constant 100000 : i32
    %add3A_283 = vector.broadcast %add3A_282 : i32 to vector<16xi32>
    %add3A_284 = arith.addi %get3A_281, %add3A_283 : vector<16xi32>
    %swap3A_285 = arith.constant 4 : i32
    %swap3A_286 = arith.index_cast %swap3A_285 : i32 to index
    %swap3A_287 = arith.constant 0 : index
    %swap3A_288 = tpu.vector_load %arg16[%swap3A_286, %swap3A_287] {strides = array<i32>} : memref<9x128xi32, #tpu.memory_space<vmem>>, vector<1x16xi32>,
    %swap3A_289 = vector.shape_cast %swap3A_288 : vector<1x16xi32> to vector<16xi32>
    %swap3A_290 = vector.shape_cast %add3A_284 : vector<16xi32> to vector<1x16xi32>
    tpu.vector_store %arg16[%swap3A_286, %swap3A_287], %swap3A_290 {strides = array<i32>} : memref<9x128xi32, #tpu.memory_space<vmem>>, vector<1x16xi32>,
    %get3A_291 = arith.constant 3 : i32
    %get3A_292 = arith.index_cast %get3A_291 : i32 to index
    %get3A_293 = arith.constant 16 : index
    %get3A_294 = tpu.vector_load %arg16[%get3A_292, %get3A_293] {strides = array<i32>} : memref<9x128xi32, #tpu.memory_space<vmem>>, vector<1x16xi32>,
    %get3A_295 = vector.shape_cast %get3A_294 : vector<1x16xi32> to vector<16xi32>
    %add3A_296 = arith.constant 100000 : i32
    %add3A_297 = vector.broadcast %add3A_296 : i32 to vector<16xi32>
    %add3A_298 = arith.addi %get3A_295, %add3A_297 : vector<16xi32>
    %swap3A_299 = arith.constant 4 : i32
    %swap3A_300 = arith.index_cast %swap3A_299 : i32 to index
    %swap3A_301 = arith.constant 16 : index
    %swap3A_302 = tpu.vector_load %arg16[%swap3A_300, %swap3A_301] {strides = array<i32>} : memref<9x128xi32, #tpu.memory_space<vmem>>, vector<1x16xi32>,
    %swap3A_303 = vector.shape_cast %swap3A_302 : vector<1x16xi32> to vector<16xi32>
    %swap3A_304 = vector.shape_cast %add3A_298 : vector<16xi32> to vector<1x16xi32>
    tpu.vector_store %arg16[%swap3A_300, %swap3A_301], %swap3A_304 {strides = array<i32>} : memref<9x128xi32, #tpu.memory_space<vmem>>, vector<1x16xi32>,
    %get3A_305 = arith.constant 3 : i32
    %get3A_306 = arith.index_cast %get3A_305 : i32 to index
    %get3A_307 = arith.constant 32 : index
    %get3A_308 = tpu.vector_load %arg16[%get3A_306, %get3A_307] {strides = array<i32>} : memref<9x128xi32, #tpu.memory_space<vmem>>, vector<1x16xi32>,
    %get3A_309 = vector.shape_cast %get3A_308 : vector<1x16xi32> to vector<16xi32>
    %add3A_310 = arith.constant 100000 : i32
    %add3A_311 = vector.broadcast %add3A_310 : i32 to vector<16xi32>
    %add3A_312 = arith.addi %get3A_309, %add3A_311 : vector<16xi32>
    %swap3A_313 = arith.constant 4 : i32
    %swap3A_314 = arith.index_cast %swap3A_313 : i32 to index
    %swap3A_315 = arith.constant 32 : index
    %swap3A_316 = tpu.vector_load %arg16[%swap3A_314, %swap3A_315] {strides = array<i32>} : memref<9x128xi32, #tpu.memory_space<vmem>>, vector<1x16xi32>,
    %swap3A_317 = vector.shape_cast %swap3A_316 : vector<1x16xi32> to vector<16xi32>
    %swap3A_318 = vector.shape_cast %add3A_312 : vector<16xi32> to vector<1x16xi32>
    tpu.vector_store %arg16[%swap3A_314, %swap3A_315], %swap3A_318 {strides = array<i32>} : memref<9x128xi32, #tpu.memory_space<vmem>>, vector<1x16xi32>,
    %get3A_319 = arith.constant 3 : i32
    %get3A_320 = arith.index_cast %get3A_319 : i32 to index
    %get3A_321 = arith.constant 48 : index
    %get3A_322 = tpu.vector_load %arg16[%get3A_320, %get3A_321] {strides = array<i32>} : memref<9x128xi32, #tpu.memory_space<vmem>>, vector<1x16xi32>,
    %get3A_323 = vector.shape_cast %get3A_322 : vector<1x16xi32> to vector<16xi32>
    %add3A_324 = arith.constant 100000 : i32
    %add3A_325 = vector.broadcast %add3A_324 : i32 to vector<16xi32>
    %add3A_326 = arith.addi %get3A_323, %add3A_325 : vector<16xi32>
    %swap3A_327 = arith.constant 4 : i32
    %swap3A_328 = arith.index_cast %swap3A_327 : i32 to index
    %swap3A_329 = arith.constant 48 : index
    %swap3A_330 = tpu.vector_load %arg16[%swap3A_328, %swap3A_329] {strides = array<i32>} : memref<9x128xi32, #tpu.memory_space<vmem>>, vector<1x16xi32>,
    %swap3A_331 = vector.shape_cast %swap3A_330 : vector<1x16xi32> to vector<16xi32>
    %swap3A_332 = vector.shape_cast %add3A_326 : vector<16xi32> to vector<1x16xi32>
    tpu.vector_store %arg16[%swap3A_328, %swap3A_329], %swap3A_332 {strides = array<i32>} : memref<9x128xi32, #tpu.memory_space<vmem>>, vector<1x16xi32>,
    %get3A_333 = arith.constant 3 : i32
    %get3A_334 = arith.index_cast %get3A_333 : i32 to index
    %get3A_335 = arith.constant 64 : index
    %get3A_336 = tpu.vector_load %arg16[%get3A_334, %get3A_335] {strides = array<i32>} : memref<9x128xi32, #tpu.memory_space<vmem>>, vector<1x16xi32>,
    %get3A_337 = vector.shape_cast %get3A_336 : vector<1x16xi32> to vector<16xi32>
    %add3A_338 = arith.constant 100000 : i32
    %add3A_339 = vector.broadcast %add3A_338 : i32 to vector<16xi32>
    %add3A_340 = arith.addi %get3A_337, %add3A_339 : vector<16xi32>
    %swap3A_341 = arith.constant 4 : i32
    %swap3A_342 = arith.index_cast %swap3A_341 : i32 to index
    %swap3A_343 = arith.constant 64 : index
    %swap3A_344 = tpu.vector_load %arg16[%swap3A_342, %swap3A_343] {strides = array<i32>} : memref<9x128xi32, #tpu.memory_space<vmem>>, vector<1x16xi32>,
    %swap3A_345 = vector.shape_cast %swap3A_344 : vector<1x16xi32> to vector<16xi32>
    %swap3A_346 = vector.shape_cast %add3A_340 : vector<16xi32> to vector<1x16xi32>
    tpu.vector_store %arg16[%swap3A_342, %swap3A_343], %swap3A_346 {strides = array<i32>} : memref<9x128xi32, #tpu.memory_space<vmem>>, vector<1x16xi32>,
    %get3A_347 = arith.constant 3 : i32
    %get3A_348 = arith.index_cast %get3A_347 : i32 to index
    %get3A_349 = arith.constant 80 : index
    %get3A_350 = tpu.vector_load %arg16[%get3A_348, %get3A_349] {strides = array<i32>} : memref<9x128xi32, #tpu.memory_space<vmem>>, vector<1x16xi32>,
    %get3A_351 = vector.shape_cast %get3A_350 : vector<1x16xi32> to vector<16xi32>
    %add3A_352 = arith.constant 100000 : i32
    %add3A_353 = vector.broadcast %add3A_352 : i32 to vector<16xi32>
    %add3A_354 = arith.addi %get3A_351, %add3A_353 : vector<16xi32>
    %swap3A_355 = arith.constant 4 : i32
    %swap3A_356 = arith.index_cast %swap3A_355 : i32 to index
    %swap3A_357 = arith.constant 80 : index
    %swap3A_358 = tpu.vector_load %arg16[%swap3A_356, %swap3A_357] {strides = array<i32>} : memref<9x128xi32, #tpu.memory_space<vmem>>, vector<1x16xi32>,
    %swap3A_359 = vector.shape_cast %swap3A_358 : vector<1x16xi32> to vector<16xi32>
    %swap3A_360 = vector.shape_cast %add3A_354 : vector<16xi32> to vector<1x16xi32>
    tpu.vector_store %arg16[%swap3A_356, %swap3A_357], %swap3A_360 {strides = array<i32>} : memref<9x128xi32, #tpu.memory_space<vmem>>, vector<1x16xi32>,
    %get3A_361 = arith.constant 3 : i32
    %get3A_362 = arith.index_cast %get3A_361 : i32 to index
    %get3A_363 = arith.constant 96 : index
    %get3A_364 = tpu.vector_load %arg16[%get3A_362, %get3A_363] {strides = array<i32>} : memref<9x128xi32, #tpu.memory_space<vmem>>, vector<1x16xi32>,
    %get3A_365 = vector.shape_cast %get3A_364 : vector<1x16xi32> to vector<16xi32>
    %add3A_366 = arith.constant 100000 : i32
    %add3A_367 = vector.broadcast %add3A_366 : i32 to vector<16xi32>
    %add3A_368 = arith.addi %get3A_365, %add3A_367 : vector<16xi32>
    %swap3A_369 = arith.constant 4 : i32
    %swap3A_370 = arith.index_cast %swap3A_369 : i32 to index
    %swap3A_371 = arith.constant 96 : index
    %swap3A_372 = tpu.vector_load %arg16[%swap3A_370, %swap3A_371] {strides = array<i32>} : memref<9x128xi32, #tpu.memory_space<vmem>>, vector<1x16xi32>,
    %swap3A_373 = vector.shape_cast %swap3A_372 : vector<1x16xi32> to vector<16xi32>
    %swap3A_374 = vector.shape_cast %add3A_368 : vector<16xi32> to vector<1x16xi32>
    tpu.vector_store %arg16[%swap3A_370, %swap3A_371], %swap3A_374 {strides = array<i32>} : memref<9x128xi32, #tpu.memory_space<vmem>>, vector<1x16xi32>,
    %get3A_375 = arith.constant 3 : i32
    %get3A_376 = arith.index_cast %get3A_375 : i32 to index
    %get3A_377 = arith.constant 112 : index
    %get3A_378 = tpu.vector_load %arg16[%get3A_376, %get3A_377] {strides = array<i32>} : memref<9x128xi32, #tpu.memory_space<vmem>>, vector<1x16xi32>,
    %get3A_379 = vector.shape_cast %get3A_378 : vector<1x16xi32> to vector<16xi32>
    %add3A_380 = arith.constant 100000 : i32
    %add3A_381 = vector.broadcast %add3A_380 : i32 to vector<16xi32>
    %add3A_382 = arith.addi %get3A_379, %add3A_381 : vector<16xi32>
    %swap3A_383 = arith.constant 4 : i32
    %swap3A_384 = arith.index_cast %swap3A_383 : i32 to index
    %swap3A_385 = arith.constant 112 : index
    %swap3A_386 = tpu.vector_load %arg16[%swap3A_384, %swap3A_385] {strides = array<i32>} : memref<9x128xi32, #tpu.memory_space<vmem>>, vector<1x16xi32>,
    %swap3A_387 = vector.shape_cast %swap3A_386 : vector<1x16xi32> to vector<16xi32>
    %swap3A_388 = vector.shape_cast %add3A_382 : vector<16xi32> to vector<1x16xi32>
    tpu.vector_store %arg16[%swap3A_384, %swap3A_385], %swap3A_388 {strides = array<i32>} : memref<9x128xi32, #tpu.memory_space<vmem>>, vector<1x16xi32>,
    %get3A_389 = arith.constant 3 : i32
    %get3A_390 = arith.index_cast %get3A_389 : i32 to index
    %get3A_391 = arith.constant 0 : index
    %get3A_392 = tpu.vector_load %arg16[%get3A_390, %get3A_391] {strides = array<i32>} : memref<9x128xi32, #tpu.memory_space<vmem>>, vector<1x16xi32>,
    %get3A_393 = vector.shape_cast %get3A_392 : vector<1x16xi32> to vector<16xi32>
    %add3A_394 = arith.constant 200000 : i32
    %add3A_395 = vector.broadcast %add3A_394 : i32 to vector<16xi32>
    %add3A_396 = arith.addi %get3A_393, %add3A_395 : vector<16xi32>
    %swap3A_397 = arith.constant 5 : i32
    %swap3A_398 = arith.index_cast %swap3A_397 : i32 to index
    %swap3A_399 = arith.constant 0 : index
    %swap3A_400 = tpu.vector_load %arg16[%swap3A_398, %swap3A_399] {strides = array<i32>} : memref<9x128xi32, #tpu.memory_space<vmem>>, vector<1x16xi32>,
    %swap3A_401 = vector.shape_cast %swap3A_400 : vector<1x16xi32> to vector<16xi32>
    %swap3A_402 = vector.shape_cast %add3A_396 : vector<16xi32> to vector<1x16xi32>
    tpu.vector_store %arg16[%swap3A_398, %swap3A_399], %swap3A_402 {strides = array<i32>} : memref<9x128xi32, #tpu.memory_space<vmem>>, vector<1x16xi32>,
    %get3A_403 = arith.constant 3 : i32
    %get3A_404 = arith.index_cast %get3A_403 : i32 to index
    %get3A_405 = arith.constant 16 : index
    %get3A_406 = tpu.vector_load %arg16[%get3A_404, %get3A_405] {strides = array<i32>} : memref<9x128xi32, #tpu.memory_space<vmem>>, vector<1x16xi32>,
    %get3A_407 = vector.shape_cast %get3A_406 : vector<1x16xi32> to vector<16xi32>
    %add3A_408 = arith.constant 200000 : i32
    %add3A_409 = vector.broadcast %add3A_408 : i32 to vector<16xi32>
    %add3A_410 = arith.addi %get3A_407, %add3A_409 : vector<16xi32>
    %swap3A_411 = arith.constant 5 : i32
    %swap3A_412 = arith.index_cast %swap3A_411 : i32 to index
    %swap3A_413 = arith.constant 16 : index
    %swap3A_414 = tpu.vector_load %arg16[%swap3A_412, %swap3A_413] {strides = array<i32>} : memref<9x128xi32, #tpu.memory_space<vmem>>, vector<1x16xi32>,
    %swap3A_415 = vector.shape_cast %swap3A_414 : vector<1x16xi32> to vector<16xi32>
    %swap3A_416 = vector.shape_cast %add3A_410 : vector<16xi32> to vector<1x16xi32>
    tpu.vector_store %arg16[%swap3A_412, %swap3A_413], %swap3A_416 {strides = array<i32>} : memref<9x128xi32, #tpu.memory_space<vmem>>, vector<1x16xi32>,
    %get3A_417 = arith.constant 3 : i32
    %get3A_418 = arith.index_cast %get3A_417 : i32 to index
    %get3A_419 = arith.constant 32 : index
    %get3A_420 = tpu.vector_load %arg16[%get3A_418, %get3A_419] {strides = array<i32>} : memref<9x128xi32, #tpu.memory_space<vmem>>, vector<1x16xi32>,
    %get3A_421 = vector.shape_cast %get3A_420 : vector<1x16xi32> to vector<16xi32>
    %add3A_422 = arith.constant 200000 : i32
    %add3A_423 = vector.broadcast %add3A_422 : i32 to vector<16xi32>
    %add3A_424 = arith.addi %get3A_421, %add3A_423 : vector<16xi32>
    %swap3A_425 = arith.constant 5 : i32
    %swap3A_426 = arith.index_cast %swap3A_425 : i32 to index
    %swap3A_427 = arith.constant 32 : index
    %swap3A_428 = tpu.vector_load %arg16[%swap3A_426, %swap3A_427] {strides = array<i32>} : memref<9x128xi32, #tpu.memory_space<vmem>>, vector<1x16xi32>,
    %swap3A_429 = vector.shape_cast %swap3A_428 : vector<1x16xi32> to vector<16xi32>
    %swap3A_430 = vector.shape_cast %add3A_424 : vector<16xi32> to vector<1x16xi32>
    tpu.vector_store %arg16[%swap3A_426, %swap3A_427], %swap3A_430 {strides = array<i32>} : memref<9x128xi32, #tpu.memory_space<vmem>>, vector<1x16xi32>,
    %get3A_431 = arith.constant 3 : i32
    %get3A_432 = arith.index_cast %get3A_431 : i32 to index
    %get3A_433 = arith.constant 48 : index
    %get3A_434 = tpu.vector_load %arg16[%get3A_432, %get3A_433] {strides = array<i32>} : memref<9x128xi32, #tpu.memory_space<vmem>>, vector<1x16xi32>,
    %get3A_435 = vector.shape_cast %get3A_434 : vector<1x16xi32> to vector<16xi32>
    %add3A_436 = arith.constant 200000 : i32
    %add3A_437 = vector.broadcast %add3A_436 : i32 to vector<16xi32>
    %add3A_438 = arith.addi %get3A_435, %add3A_437 : vector<16xi32>
    %swap3A_439 = arith.constant 5 : i32
    %swap3A_440 = arith.index_cast %swap3A_439 : i32 to index
    %swap3A_441 = arith.constant 48 : index
    %swap3A_442 = tpu.vector_load %arg16[%swap3A_440, %swap3A_441] {strides = array<i32>} : memref<9x128xi32, #tpu.memory_space<vmem>>, vector<1x16xi32>,
    %swap3A_443 = vector.shape_cast %swap3A_442 : vector<1x16xi32> to vector<16xi32>
    %swap3A_444 = vector.shape_cast %add3A_438 : vector<16xi32> to vector<1x16xi32>
    tpu.vector_store %arg16[%swap3A_440, %swap3A_441], %swap3A_444 {strides = array<i32>} : memref<9x128xi32, #tpu.memory_space<vmem>>, vector<1x16xi32>,
    %get3A_445 = arith.constant 3 : i32
    %get3A_446 = arith.index_cast %get3A_445 : i32 to index
    %get3A_447 = arith.constant 64 : index
    %get3A_448 = tpu.vector_load %arg16[%get3A_446, %get3A_447] {strides = array<i32>} : memref<9x128xi32, #tpu.memory_space<vmem>>, vector<1x16xi32>,
    %get3A_449 = vector.shape_cast %get3A_448 : vector<1x16xi32> to vector<16xi32>
    %add3A_450 = arith.constant 200000 : i32
    %add3A_451 = vector.broadcast %add3A_450 : i32 to vector<16xi32>
    %add3A_452 = arith.addi %get3A_449, %add3A_451 : vector<16xi32>
    %swap3A_453 = arith.constant 5 : i32
    %swap3A_454 = arith.index_cast %swap3A_453 : i32 to index
    %swap3A_455 = arith.constant 64 : index
    %swap3A_456 = tpu.vector_load %arg16[%swap3A_454, %swap3A_455] {strides = array<i32>} : memref<9x128xi32, #tpu.memory_space<vmem>>, vector<1x16xi32>,
    %swap3A_457 = vector.shape_cast %swap3A_456 : vector<1x16xi32> to vector<16xi32>
    %swap3A_458 = vector.shape_cast %add3A_452 : vector<16xi32> to vector<1x16xi32>
    tpu.vector_store %arg16[%swap3A_454, %swap3A_455], %swap3A_458 {strides = array<i32>} : memref<9x128xi32, #tpu.memory_space<vmem>>, vector<1x16xi32>,
    %get3A_459 = arith.constant 3 : i32
    %get3A_460 = arith.index_cast %get3A_459 : i32 to index
    %get3A_461 = arith.constant 80 : index
    %get3A_462 = tpu.vector_load %arg16[%get3A_460, %get3A_461] {strides = array<i32>} : memref<9x128xi32, #tpu.memory_space<vmem>>, vector<1x16xi32>,
    %get3A_463 = vector.shape_cast %get3A_462 : vector<1x16xi32> to vector<16xi32>
    %add3A_464 = arith.constant 200000 : i32
    %add3A_465 = vector.broadcast %add3A_464 : i32 to vector<16xi32>
    %add3A_466 = arith.addi %get3A_463, %add3A_465 : vector<16xi32>
    %swap3A_467 = arith.constant 5 : i32
    %swap3A_468 = arith.index_cast %swap3A_467 : i32 to index
    %swap3A_469 = arith.constant 80 : index
    %swap3A_470 = tpu.vector_load %arg16[%swap3A_468, %swap3A_469] {strides = array<i32>} : memref<9x128xi32, #tpu.memory_space<vmem>>, vector<1x16xi32>,
    %swap3A_471 = vector.shape_cast %swap3A_470 : vector<1x16xi32> to vector<16xi32>
    %swap3A_472 = vector.shape_cast %add3A_466 : vector<16xi32> to vector<1x16xi32>
    tpu.vector_store %arg16[%swap3A_468, %swap3A_469], %swap3A_472 {strides = array<i32>} : memref<9x128xi32, #tpu.memory_space<vmem>>, vector<1x16xi32>,
    %get3A_473 = arith.constant 3 : i32
    %get3A_474 = arith.index_cast %get3A_473 : i32 to index
    %get3A_475 = arith.constant 96 : index
    %get3A_476 = tpu.vector_load %arg16[%get3A_474, %get3A_475] {strides = array<i32>} : memref<9x128xi32, #tpu.memory_space<vmem>>, vector<1x16xi32>,
    %get3A_477 = vector.shape_cast %get3A_476 : vector<1x16xi32> to vector<16xi32>
    %add3A_478 = arith.constant 200000 : i32
    %add3A_479 = vector.broadcast %add3A_478 : i32 to vector<16xi32>
    %add3A_480 = arith.addi %get3A_477, %add3A_479 : vector<16xi32>
    %swap3A_481 = arith.constant 5 : i32
    %swap3A_482 = arith.index_cast %swap3A_481 : i32 to index
    %swap3A_483 = arith.constant 96 : index
    %swap3A_484 = tpu.vector_load %arg16[%swap3A_482, %swap3A_483] {strides = array<i32>} : memref<9x128xi32, #tpu.memory_space<vmem>>, vector<1x16xi32>,
    %swap3A_485 = vector.shape_cast %swap3A_484 : vector<1x16xi32> to vector<16xi32>
    %swap3A_486 = vector.shape_cast %add3A_480 : vector<16xi32> to vector<1x16xi32>
    tpu.vector_store %arg16[%swap3A_482, %swap3A_483], %swap3A_486 {strides = array<i32>} : memref<9x128xi32, #tpu.memory_space<vmem>>, vector<1x16xi32>,
    %get3A_487 = arith.constant 3 : i32
    %get3A_488 = arith.index_cast %get3A_487 : i32 to index
    %get3A_489 = arith.constant 112 : index
    %get3A_490 = tpu.vector_load %arg16[%get3A_488, %get3A_489] {strides = array<i32>} : memref<9x128xi32, #tpu.memory_space<vmem>>, vector<1x16xi32>,
    %get3A_491 = vector.shape_cast %get3A_490 : vector<1x16xi32> to vector<16xi32>
    %add3A_492 = arith.constant 200000 : i32
    %add3A_493 = vector.broadcast %add3A_492 : i32 to vector<16xi32>
    %add3A_494 = arith.addi %get3A_491, %add3A_493 : vector<16xi32>
    %swap3A_495 = arith.constant 5 : i32
    %swap3A_496 = arith.index_cast %swap3A_495 : i32 to index
    %swap3A_497 = arith.constant 112 : index
    %swap3A_498 = tpu.vector_load %arg16[%swap3A_496, %swap3A_497] {strides = array<i32>} : memref<9x128xi32, #tpu.memory_space<vmem>>, vector<1x16xi32>,
    %swap3A_499 = vector.shape_cast %swap3A_498 : vector<1x16xi32> to vector<16xi32>
    %swap3A_500 = vector.shape_cast %add3A_494 : vector<16xi32> to vector<1x16xi32>
    tpu.vector_store %arg16[%swap3A_496, %swap3A_497], %swap3A_500 {strides = array<i32>} : memref<9x128xi32, #tpu.memory_space<vmem>>, vector<1x16xi32>,
    %get3A_501 = arith.constant 6 : i32
    %get3A_502 = arith.index_cast %get3A_501 : i32 to index
    %get3A_503 = arith.constant 0 : index
    %get3A_504 = tpu.vector_load %arg16[%get3A_502, %get3A_503] {strides = array<i32>} : memref<9x128xi32, #tpu.memory_space<vmem>>, vector<1x16xi32>,
    %get3A_505 = vector.shape_cast %get3A_504 : vector<1x16xi32> to vector<16xi32>
    %add3A_506 = arith.constant 100000 : i32
    %add3A_507 = vector.broadcast %add3A_506 : i32 to vector<16xi32>
    %add3A_508 = arith.addi %get3A_505, %add3A_507 : vector<16xi32>
    %swap3A_509 = arith.constant 7 : i32
    %swap3A_510 = arith.index_cast %swap3A_509 : i32 to index
    %swap3A_511 = arith.constant 0 : index
    %swap3A_512 = tpu.vector_load %arg16[%swap3A_510, %swap3A_511] {strides = array<i32>} : memref<9x128xi32, #tpu.memory_space<vmem>>, vector<1x16xi32>,
    %swap3A_513 = vector.shape_cast %swap3A_512 : vector<1x16xi32> to vector<16xi32>
    %swap3A_514 = vector.shape_cast %add3A_508 : vector<16xi32> to vector<1x16xi32>
    tpu.vector_store %arg16[%swap3A_510, %swap3A_511], %swap3A_514 {strides = array<i32>} : memref<9x128xi32, #tpu.memory_space<vmem>>, vector<1x16xi32>,
    %get3A_515 = arith.constant 6 : i32
    %get3A_516 = arith.index_cast %get3A_515 : i32 to index
    %get3A_517 = arith.constant 16 : index
    %get3A_518 = tpu.vector_load %arg16[%get3A_516, %get3A_517] {strides = array<i32>} : memref<9x128xi32, #tpu.memory_space<vmem>>, vector<1x16xi32>,
    %get3A_519 = vector.shape_cast %get3A_518 : vector<1x16xi32> to vector<16xi32>
    %add3A_520 = arith.constant 100000 : i32
    %add3A_521 = vector.broadcast %add3A_520 : i32 to vector<16xi32>
    %add3A_522 = arith.addi %get3A_519, %add3A_521 : vector<16xi32>
    %swap3A_523 = arith.constant 7 : i32
    %swap3A_524 = arith.index_cast %swap3A_523 : i32 to index
    %swap3A_525 = arith.constant 16 : index
    %swap3A_526 = tpu.vector_load %arg16[%swap3A_524, %swap3A_525] {strides = array<i32>} : memref<9x128xi32, #tpu.memory_space<vmem>>, vector<1x16xi32>,
    %swap3A_527 = vector.shape_cast %swap3A_526 : vector<1x16xi32> to vector<16xi32>
    %swap3A_528 = vector.shape_cast %add3A_522 : vector<16xi32> to vector<1x16xi32>
    tpu.vector_store %arg16[%swap3A_524, %swap3A_525], %swap3A_528 {strides = array<i32>} : memref<9x128xi32, #tpu.memory_space<vmem>>, vector<1x16xi32>,
    %get3A_529 = arith.constant 6 : i32
    %get3A_530 = arith.index_cast %get3A_529 : i32 to index
    %get3A_531 = arith.constant 32 : index
    %get3A_532 = tpu.vector_load %arg16[%get3A_530, %get3A_531] {strides = array<i32>} : memref<9x128xi32, #tpu.memory_space<vmem>>, vector<1x16xi32>,
    %get3A_533 = vector.shape_cast %get3A_532 : vector<1x16xi32> to vector<16xi32>
    %add3A_534 = arith.constant 100000 : i32
    %add3A_535 = vector.broadcast %add3A_534 : i32 to vector<16xi32>
    %add3A_536 = arith.addi %get3A_533, %add3A_535 : vector<16xi32>
    %swap3A_537 = arith.constant 7 : i32
    %swap3A_538 = arith.index_cast %swap3A_537 : i32 to index
    %swap3A_539 = arith.constant 32 : index
    %swap3A_540 = tpu.vector_load %arg16[%swap3A_538, %swap3A_539] {strides = array<i32>} : memref<9x128xi32, #tpu.memory_space<vmem>>, vector<1x16xi32>,
    %swap3A_541 = vector.shape_cast %swap3A_540 : vector<1x16xi32> to vector<16xi32>
    %swap3A_542 = vector.shape_cast %add3A_536 : vector<16xi32> to vector<1x16xi32>
    tpu.vector_store %arg16[%swap3A_538, %swap3A_539], %swap3A_542 {strides = array<i32>} : memref<9x128xi32, #tpu.memory_space<vmem>>, vector<1x16xi32>,
    %get3A_543 = arith.constant 6 : i32
    %get3A_544 = arith.index_cast %get3A_543 : i32 to index
    %get3A_545 = arith.constant 48 : index
    %get3A_546 = tpu.vector_load %arg16[%get3A_544, %get3A_545] {strides = array<i32>} : memref<9x128xi32, #tpu.memory_space<vmem>>, vector<1x16xi32>,
    %get3A_547 = vector.shape_cast %get3A_546 : vector<1x16xi32> to vector<16xi32>
    %add3A_548 = arith.constant 100000 : i32
    %add3A_549 = vector.broadcast %add3A_548 : i32 to vector<16xi32>
    %add3A_550 = arith.addi %get3A_547, %add3A_549 : vector<16xi32>
    %swap3A_551 = arith.constant 7 : i32
    %swap3A_552 = arith.index_cast %swap3A_551 : i32 to index
    %swap3A_553 = arith.constant 48 : index
    %swap3A_554 = tpu.vector_load %arg16[%swap3A_552, %swap3A_553] {strides = array<i32>} : memref<9x128xi32, #tpu.memory_space<vmem>>, vector<1x16xi32>,
    %swap3A_555 = vector.shape_cast %swap3A_554 : vector<1x16xi32> to vector<16xi32>
    %swap3A_556 = vector.shape_cast %add3A_550 : vector<16xi32> to vector<1x16xi32>
    tpu.vector_store %arg16[%swap3A_552, %swap3A_553], %swap3A_556 {strides = array<i32>} : memref<9x128xi32, #tpu.memory_space<vmem>>, vector<1x16xi32>,
    %get3A_557 = arith.constant 6 : i32
    %get3A_558 = arith.index_cast %get3A_557 : i32 to index
    %get3A_559 = arith.constant 64 : index
    %get3A_560 = tpu.vector_load %arg16[%get3A_558, %get3A_559] {strides = array<i32>} : memref<9x128xi32, #tpu.memory_space<vmem>>, vector<1x16xi32>,
    %get3A_561 = vector.shape_cast %get3A_560 : vector<1x16xi32> to vector<16xi32>
    %add3A_562 = arith.constant 100000 : i32
    %add3A_563 = vector.broadcast %add3A_562 : i32 to vector<16xi32>
    %add3A_564 = arith.addi %get3A_561, %add3A_563 : vector<16xi32>
    %swap3A_565 = arith.constant 7 : i32
    %swap3A_566 = arith.index_cast %swap3A_565 : i32 to index
    %swap3A_567 = arith.constant 64 : index
    %swap3A_568 = tpu.vector_load %arg16[%swap3A_566, %swap3A_567] {strides = array<i32>} : memref<9x128xi32, #tpu.memory_space<vmem>>, vector<1x16xi32>,
    %swap3A_569 = vector.shape_cast %swap3A_568 : vector<1x16xi32> to vector<16xi32>
    %swap3A_570 = vector.shape_cast %add3A_564 : vector<16xi32> to vector<1x16xi32>
    tpu.vector_store %arg16[%swap3A_566, %swap3A_567], %swap3A_570 {strides = array<i32>} : memref<9x128xi32, #tpu.memory_space<vmem>>, vector<1x16xi32>,
    %get3A_571 = arith.constant 6 : i32
    %get3A_572 = arith.index_cast %get3A_571 : i32 to index
    %get3A_573 = arith.constant 80 : index
    %get3A_574 = tpu.vector_load %arg16[%get3A_572, %get3A_573] {strides = array<i32>} : memref<9x128xi32, #tpu.memory_space<vmem>>, vector<1x16xi32>,
    %get3A_575 = vector.shape_cast %get3A_574 : vector<1x16xi32> to vector<16xi32>
    %add3A_576 = arith.constant 100000 : i32
    %add3A_577 = vector.broadcast %add3A_576 : i32 to vector<16xi32>
    %add3A_578 = arith.addi %get3A_575, %add3A_577 : vector<16xi32>
    %swap3A_579 = arith.constant 7 : i32
    %swap3A_580 = arith.index_cast %swap3A_579 : i32 to index
    %swap3A_581 = arith.constant 80 : index
    %swap3A_582 = tpu.vector_load %arg16[%swap3A_580, %swap3A_581] {strides = array<i32>} : memref<9x128xi32, #tpu.memory_space<vmem>>, vector<1x16xi32>,
    %swap3A_583 = vector.shape_cast %swap3A_582 : vector<1x16xi32> to vector<16xi32>
    %swap3A_584 = vector.shape_cast %add3A_578 : vector<16xi32> to vector<1x16xi32>
    tpu.vector_store %arg16[%swap3A_580, %swap3A_581], %swap3A_584 {strides = array<i32>} : memref<9x128xi32, #tpu.memory_space<vmem>>, vector<1x16xi32>,
    %get3A_585 = arith.constant 6 : i32
    %get3A_586 = arith.index_cast %get3A_585 : i32 to index
    %get3A_587 = arith.constant 96 : index
    %get3A_588 = tpu.vector_load %arg16[%get3A_586, %get3A_587] {strides = array<i32>} : memref<9x128xi32, #tpu.memory_space<vmem>>, vector<1x16xi32>,
    %get3A_589 = vector.shape_cast %get3A_588 : vector<1x16xi32> to vector<16xi32>
    %add3A_590 = arith.constant 100000 : i32
    %add3A_591 = vector.broadcast %add3A_590 : i32 to vector<16xi32>
    %add3A_592 = arith.addi %get3A_589, %add3A_591 : vector<16xi32>
    %swap3A_593 = arith.constant 7 : i32
    %swap3A_594 = arith.index_cast %swap3A_593 : i32 to index
    %swap3A_595 = arith.constant 96 : index
    %swap3A_596 = tpu.vector_load %arg16[%swap3A_594, %swap3A_595] {strides = array<i32>} : memref<9x128xi32, #tpu.memory_space<vmem>>, vector<1x16xi32>,
    %swap3A_597 = vector.shape_cast %swap3A_596 : vector<1x16xi32> to vector<16xi32>
    %swap3A_598 = vector.shape_cast %add3A_592 : vector<16xi32> to vector<1x16xi32>
    tpu.vector_store %arg16[%swap3A_594, %swap3A_595], %swap3A_598 {strides = array<i32>} : memref<9x128xi32, #tpu.memory_space<vmem>>, vector<1x16xi32>,
    %get3A_599 = arith.constant 6 : i32
    %get3A_600 = arith.index_cast %get3A_599 : i32 to index
    %get3A_601 = arith.constant 112 : index
    %get3A_602 = tpu.vector_load %arg16[%get3A_600, %get3A_601] {strides = array<i32>} : memref<9x128xi32, #tpu.memory_space<vmem>>, vector<1x16xi32>,
    %get3A_603 = vector.shape_cast %get3A_602 : vector<1x16xi32> to vector<16xi32>
    %add3A_604 = arith.constant 100000 : i32
    %add3A_605 = vector.broadcast %add3A_604 : i32 to vector<16xi32>
    %add3A_606 = arith.addi %get3A_603, %add3A_605 : vector<16xi32>
    %swap3A_607 = arith.constant 7 : i32
    %swap3A_608 = arith.index_cast %swap3A_607 : i32 to index
    %swap3A_609 = arith.constant 112 : index
    %swap3A_610 = tpu.vector_load %arg16[%swap3A_608, %swap3A_609] {strides = array<i32>} : memref<9x128xi32, #tpu.memory_space<vmem>>, vector<1x16xi32>,
    %swap3A_611 = vector.shape_cast %swap3A_610 : vector<1x16xi32> to vector<16xi32>
    %swap3A_612 = vector.shape_cast %add3A_606 : vector<16xi32> to vector<1x16xi32>
    tpu.vector_store %arg16[%swap3A_608, %swap3A_609], %swap3A_612 {strides = array<i32>} : memref<9x128xi32, #tpu.memory_space<vmem>>, vector<1x16xi32>,
    %get3A_613 = arith.constant 6 : i32
    %get3A_614 = arith.index_cast %get3A_613 : i32 to index
    %get3A_615 = arith.constant 0 : index
    %get3A_616 = tpu.vector_load %arg16[%get3A_614, %get3A_615] {strides = array<i32>} : memref<9x128xi32, #tpu.memory_space<vmem>>, vector<1x16xi32>,
    %get3A_617 = vector.shape_cast %get3A_616 : vector<1x16xi32> to vector<16xi32>
    %add3A_618 = arith.constant 200000 : i32
    %add3A_619 = vector.broadcast %add3A_618 : i32 to vector<16xi32>
    %add3A_620 = arith.addi %get3A_617, %add3A_619 : vector<16xi32>
    %swap3A_621 = arith.constant 8 : i32
    %swap3A_622 = arith.index_cast %swap3A_621 : i32 to index
    %swap3A_623 = arith.constant 0 : index
    %swap3A_624 = tpu.vector_load %arg16[%swap3A_622, %swap3A_623] {strides = array<i32>} : memref<9x128xi32, #tpu.memory_space<vmem>>, vector<1x16xi32>,
    %swap3A_625 = vector.shape_cast %swap3A_624 : vector<1x16xi32> to vector<16xi32>
    %swap3A_626 = vector.shape_cast %add3A_620 : vector<16xi32> to vector<1x16xi32>
    tpu.vector_store %arg16[%swap3A_622, %swap3A_623], %swap3A_626 {strides = array<i32>} : memref<9x128xi32, #tpu.memory_space<vmem>>, vector<1x16xi32>,
    %get3A_627 = arith.constant 6 : i32
    %get3A_628 = arith.index_cast %get3A_627 : i32 to index
    %get3A_629 = arith.constant 16 : index
    %get3A_630 = tpu.vector_load %arg16[%get3A_628, %get3A_629] {strides = array<i32>} : memref<9x128xi32, #tpu.memory_space<vmem>>, vector<1x16xi32>,
    %get3A_631 = vector.shape_cast %get3A_630 : vector<1x16xi32> to vector<16xi32>
    %add3A_632 = arith.constant 200000 : i32
    %add3A_633 = vector.broadcast %add3A_632 : i32 to vector<16xi32>
    %add3A_634 = arith.addi %get3A_631, %add3A_633 : vector<16xi32>
    %swap3A_635 = arith.constant 8 : i32
    %swap3A_636 = arith.index_cast %swap3A_635 : i32 to index
    %swap3A_637 = arith.constant 16 : index
    %swap3A_638 = tpu.vector_load %arg16[%swap3A_636, %swap3A_637] {strides = array<i32>} : memref<9x128xi32, #tpu.memory_space<vmem>>, vector<1x16xi32>,
    %swap3A_639 = vector.shape_cast %swap3A_638 : vector<1x16xi32> to vector<16xi32>
    %swap3A_640 = vector.shape_cast %add3A_634 : vector<16xi32> to vector<1x16xi32>
    tpu.vector_store %arg16[%swap3A_636, %swap3A_637], %swap3A_640 {strides = array<i32>} : memref<9x128xi32, #tpu.memory_space<vmem>>, vector<1x16xi32>,
    %get3A_641 = arith.constant 6 : i32
    %get3A_642 = arith.index_cast %get3A_641 : i32 to index
    %get3A_643 = arith.constant 32 : index
    %get3A_644 = tpu.vector_load %arg16[%get3A_642, %get3A_643] {strides = array<i32>} : memref<9x128xi32, #tpu.memory_space<vmem>>, vector<1x16xi32>,
    %get3A_645 = vector.shape_cast %get3A_644 : vector<1x16xi32> to vector<16xi32>
    %add3A_646 = arith.constant 200000 : i32
    %add3A_647 = vector.broadcast %add3A_646 : i32 to vector<16xi32>
    %add3A_648 = arith.addi %get3A_645, %add3A_647 : vector<16xi32>
    %swap3A_649 = arith.constant 8 : i32
    %swap3A_650 = arith.index_cast %swap3A_649 : i32 to index
    %swap3A_651 = arith.constant 32 : index
    %swap3A_652 = tpu.vector_load %arg16[%swap3A_650, %swap3A_651] {strides = array<i32>} : memref<9x128xi32, #tpu.memory_space<vmem>>, vector<1x16xi32>,
    %swap3A_653 = vector.shape_cast %swap3A_652 : vector<1x16xi32> to vector<16xi32>
    %swap3A_654 = vector.shape_cast %add3A_648 : vector<16xi32> to vector<1x16xi32>
    tpu.vector_store %arg16[%swap3A_650, %swap3A_651], %swap3A_654 {strides = array<i32>} : memref<9x128xi32, #tpu.memory_space<vmem>>, vector<1x16xi32>,
    %get3A_655 = arith.constant 6 : i32
    %get3A_656 = arith.index_cast %get3A_655 : i32 to index
    %get3A_657 = arith.constant 48 : index
    %get3A_658 = tpu.vector_load %arg16[%get3A_656, %get3A_657] {strides = array<i32>} : memref<9x128xi32, #tpu.memory_space<vmem>>, vector<1x16xi32>,
    %get3A_659 = vector.shape_cast %get3A_658 : vector<1x16xi32> to vector<16xi32>
    %add3A_660 = arith.constant 200000 : i32
    %add3A_661 = vector.broadcast %add3A_660 : i32 to vector<16xi32>
    %add3A_662 = arith.addi %get3A_659, %add3A_661 : vector<16xi32>
    %swap3A_663 = arith.constant 8 : i32
    %swap3A_664 = arith.index_cast %swap3A_663 : i32 to index
    %swap3A_665 = arith.constant 48 : index
    %swap3A_666 = tpu.vector_load %arg16[%swap3A_664, %swap3A_665] {strides = array<i32>} : memref<9x128xi32, #tpu.memory_space<vmem>>, vector<1x16xi32>,
    %swap3A_667 = vector.shape_cast %swap3A_666 : vector<1x16xi32> to vector<16xi32>
    %swap3A_668 = vector.shape_cast %add3A_662 : vector<16xi32> to vector<1x16xi32>
    tpu.vector_store %arg16[%swap3A_664, %swap3A_665], %swap3A_668 {strides = array<i32>} : memref<9x128xi32, #tpu.memory_space<vmem>>, vector<1x16xi32>,
    %get3A_669 = arith.constant 6 : i32
    %get3A_670 = arith.index_cast %get3A_669 : i32 to index
    %get3A_671 = arith.constant 64 : index
    %get3A_672 = tpu.vector_load %arg16[%get3A_670, %get3A_671] {strides = array<i32>} : memref<9x128xi32, #tpu.memory_space<vmem>>, vector<1x16xi32>,
    %get3A_673 = vector.shape_cast %get3A_672 : vector<1x16xi32> to vector<16xi32>
    %add3A_674 = arith.constant 200000 : i32
    %add3A_675 = vector.broadcast %add3A_674 : i32 to vector<16xi32>
    %add3A_676 = arith.addi %get3A_673, %add3A_675 : vector<16xi32>
    %swap3A_677 = arith.constant 8 : i32
    %swap3A_678 = arith.index_cast %swap3A_677 : i32 to index
    %swap3A_679 = arith.constant 64 : index
    %swap3A_680 = tpu.vector_load %arg16[%swap3A_678, %swap3A_679] {strides = array<i32>} : memref<9x128xi32, #tpu.memory_space<vmem>>, vector<1x16xi32>,
    %swap3A_681 = vector.shape_cast %swap3A_680 : vector<1x16xi32> to vector<16xi32>
    %swap3A_682 = vector.shape_cast %add3A_676 : vector<16xi32> to vector<1x16xi32>
    tpu.vector_store %arg16[%swap3A_678, %swap3A_679], %swap3A_682 {strides = array<i32>} : memref<9x128xi32, #tpu.memory_space<vmem>>, vector<1x16xi32>,
    %get3A_683 = arith.constant 6 : i32
    %get3A_684 = arith.index_cast %get3A_683 : i32 to index
    %get3A_685 = arith.constant 80 : index
    %get3A_686 = tpu.vector_load %arg16[%get3A_684, %get3A_685] {strides = array<i32>} : memref<9x128xi32, #tpu.memory_space<vmem>>, vector<1x16xi32>,
    %get3A_687 = vector.shape_cast %get3A_686 : vector<1x16xi32> to vector<16xi32>
    %add3A_688 = arith.constant 200000 : i32
    %add3A_689 = vector.broadcast %add3A_688 : i32 to vector<16xi32>
    %add3A_690 = arith.addi %get3A_687, %add3A_689 : vector<16xi32>
    %swap3A_691 = arith.constant 8 : i32
    %swap3A_692 = arith.index_cast %swap3A_691 : i32 to index
    %swap3A_693 = arith.constant 80 : index
    %swap3A_694 = tpu.vector_load %arg16[%swap3A_692, %swap3A_693] {strides = array<i32>} : memref<9x128xi32, #tpu.memory_space<vmem>>, vector<1x16xi32>,
    %swap3A_695 = vector.shape_cast %swap3A_694 : vector<1x16xi32> to vector<16xi32>
    %swap3A_696 = vector.shape_cast %add3A_690 : vector<16xi32> to vector<1x16xi32>
    tpu.vector_store %arg16[%swap3A_692, %swap3A_693], %swap3A_696 {strides = array<i32>} : memref<9x128xi32, #tpu.memory_space<vmem>>, vector<1x16xi32>,
    %get3A_697 = arith.constant 6 : i32
    %get3A_698 = arith.index_cast %get3A_697 : i32 to index
    %get3A_699 = arith.constant 96 : index
    %get3A_700 = tpu.vector_load %arg16[%get3A_698, %get3A_699] {strides = array<i32>} : memref<9x128xi32, #tpu.memory_space<vmem>>, vector<1x16xi32>,
    %get3A_701 = vector.shape_cast %get3A_700 : vector<1x16xi32> to vector<16xi32>
    %add3A_702 = arith.constant 200000 : i32
    %add3A_703 = vector.broadcast %add3A_702 : i32 to vector<16xi32>
    %add3A_704 = arith.addi %get3A_701, %add3A_703 : vector<16xi32>
    %swap3A_705 = arith.constant 8 : i32
    %swap3A_706 = arith.index_cast %swap3A_705 : i32 to index
    %swap3A_707 = arith.constant 96 : index
    %swap3A_708 = tpu.vector_load %arg16[%swap3A_706, %swap3A_707] {strides = array<i32>} : memref<9x128xi32, #tpu.memory_space<vmem>>, vector<1x16xi32>,
    %swap3A_709 = vector.shape_cast %swap3A_708 : vector<1x16xi32> to vector<16xi32>
    %swap3A_710 = vector.shape_cast %add3A_704 : vector<16xi32> to vector<1x16xi32>
    tpu.vector_store %arg16[%swap3A_706, %swap3A_707], %swap3A_710 {strides = array<i32>} : memref<9x128xi32, #tpu.memory_space<vmem>>, vector<1x16xi32>,
    %get3A_711 = arith.constant 6 : i32
    %get3A_712 = arith.index_cast %get3A_711 : i32 to index
    %get3A_713 = arith.constant 112 : index
    %get3A_714 = tpu.vector_load %arg16[%get3A_712, %get3A_713] {strides = array<i32>} : memref<9x128xi32, #tpu.memory_space<vmem>>, vector<1x16xi32>,
    %get3A_715 = vector.shape_cast %get3A_714 : vector<1x16xi32> to vector<16xi32>
    %add3A_716 = arith.constant 200000 : i32
    %add3A_717 = vector.broadcast %add3A_716 : i32 to vector<16xi32>
    %add3A_718 = arith.addi %get3A_715, %add3A_717 : vector<16xi32>
    %swap3A_719 = arith.constant 8 : i32
    %swap3A_720 = arith.index_cast %swap3A_719 : i32 to index
    %swap3A_721 = arith.constant 112 : index
    %swap3A_722 = tpu.vector_load %arg16[%swap3A_720, %swap3A_721] {strides = array<i32>} : memref<9x128xi32, #tpu.memory_space<vmem>>, vector<1x16xi32>,
    %swap3A_723 = vector.shape_cast %swap3A_722 : vector<1x16xi32> to vector<16xi32>
    %swap3A_724 = vector.shape_cast %add3A_718 : vector<16xi32> to vector<1x16xi32>
    tpu.vector_store %arg16[%swap3A_720, %swap3A_721], %swap3A_724 {strides = array<i32>} : memref<9x128xi32, #tpu.memory_space<vmem>>, vector<1x16xi32>,
    %dma_start3A_725 = arith.constant 0 : i32
    %dma_start3A_726 = arith.constant 0 : i32
    %dma_start3A_727 = tpu.memref_slice %arg16[%dma_start3A_725, %dma_start3A_726] : memref<9x128xi32, #tpu.memory_space<vmem>> -> memref<1x128xi32, #tpu.memory_space<vmem>>
    %dma_start3A_728 = tpu.memref_squeeze %dma_start3A_727 : memref<1x128xi32, #tpu.memory_space<vmem>> -> memref<128xi32, #tpu.memory_space<vmem>>
    %dma_start3A_729 = arith.constant 0 : i32
    %dma_start3A_730 = arith.constant 0 : i32
    %dma_start3A_731 = tpu.memref_slice %arg2[%dma_start3A_729, %dma_start3A_730] : memref<300000x128xf32, #tpu.memory_space<hbm>> -> memref<300000x128xf32, #tpu.memory_space<hbm>>
    tpu.enqueue_indirect_dma source(%dma_start3A_731 : memref<300000x128xf32, #tpu.memory_space<hbm>>) target(%arg17 : memref<128x128xf32, #tpu.memory_space<vmem>>) offsets(%dma_start3A_728 : memref<128xi32, #tpu.memory_space<vmem>>) semaphore(%arg22 : memref<!tpu.dma_semaphore, #tpu.memory_space<semaphore_mem>>)
    %dma_start3A_732 = arith.constant 1 : i32
    %dma_start3A_733 = arith.constant 0 : i32
    %dma_start3A_734 = tpu.memref_slice %arg16[%dma_start3A_732, %dma_start3A_733] : memref<9x128xi32, #tpu.memory_space<vmem>> -> memref<1x128xi32, #tpu.memory_space<vmem>>
    %dma_start3A_735 = tpu.memref_squeeze %dma_start3A_734 : memref<1x128xi32, #tpu.memory_space<vmem>> -> memref<128xi32, #tpu.memory_space<vmem>>
    %dma_start3A_736 = arith.constant 0 : i32
    %dma_start3A_737 = arith.constant 0 : i32
    %dma_start3A_738 = tpu.memref_slice %arg2[%dma_start3A_736, %dma_start3A_737] : memref<300000x128xf32, #tpu.memory_space<hbm>> -> memref<300000x128xf32, #tpu.memory_space<hbm>>
    tpu.enqueue_indirect_dma source(%dma_start3A_738 : memref<300000x128xf32, #tpu.memory_space<hbm>>) target(%arg18 : memref<128x128xf32, #tpu.memory_space<vmem>>) offsets(%dma_start3A_735 : memref<128xi32, #tpu.memory_space<vmem>>) semaphore(%arg22 : memref<!tpu.dma_semaphore, #tpu.memory_space<semaphore_mem>>)
    %dma_start3A_739 = arith.constant 2 : i32
    %dma_start3A_740 = arith.constant 0 : i32
    %dma_start3A_741 = tpu.memref_slice %arg16[%dma_start3A_739, %dma_start3A_740] : memref<9x128xi32, #tpu.memory_space<vmem>> -> memref<1x128xi32, #tpu.memory_space<vmem>>
    %dma_start3A_742 = tpu.memref_squeeze %dma_start3A_741 : memref<1x128xi32, #tpu.memory_space<vmem>> -> memref<128xi32, #tpu.memory_space<vmem>>
    %dma_start3A_743 = arith.constant 0 : i32
    %dma_start3A_744 = arith.constant 0 : i32
    %dma_start3A_745 = tpu.memref_slice %arg2[%dma_start3A_743, %dma_start3A_744] : memref<300000x128xf32, #tpu.memory_space<hbm>> -> memref<300000x128xf32, #tpu.memory_space<hbm>>
    tpu.enqueue_indirect_dma source(%dma_start3A_745 : memref<300000x128xf32, #tpu.memory_space<hbm>>) target(%arg19 : memref<128x128xf32, #tpu.memory_space<vmem>>) offsets(%dma_start3A_742 : memref<128xi32, #tpu.memory_space<vmem>>) semaphore(%arg22 : memref<!tpu.dma_semaphore, #tpu.memory_space<semaphore_mem>>)
    %dma_wait3A_746 = arith.constant 0 : i32
    %dma_wait3A_747 = arith.constant 0 : i32
    %dma_wait3A_748 = tpu.memref_slice %arg16[%dma_wait3A_746, %dma_wait3A_747] : memref<9x128xi32, #tpu.memory_space<vmem>> -> memref<1x128xi32, #tpu.memory_space<vmem>>
    %dma_wait3A_749 = tpu.memref_squeeze %dma_wait3A_748 : memref<1x128xi32, #tpu.memory_space<vmem>> -> memref<128xi32, #tpu.memory_space<vmem>>
    %dma_wait3A_750 = arith.constant 0 : i32
    %dma_wait3A_751 = arith.constant 0 : i32
    %dma_wait3A_752 = tpu.memref_slice %arg2[%dma_wait3A_750, %dma_wait3A_751] : memref<300000x128xf32, #tpu.memory_space<hbm>> -> memref<300000x128xf32, #tpu.memory_space<hbm>>
    tpu.wait_indirect_dma semaphore(%arg22 : memref<!tpu.dma_semaphore, #tpu.memory_space<semaphore_mem>>) src(%dma_wait3A_752 : memref<300000x128xf32, #tpu.memory_space<hbm>>) dst(%arg17 : memref<128x128xf32, #tpu.memory_space<vmem>>)
    %dma_start3A_753 = arith.constant 0 : i32
    %dma_start3A_754 = tpu.memref_slice %arg7[%mul3A_2, %dma_start3A_753] : memref<4096x128xf32, #tpu.memory_space<hbm>> -> memref<128x128xf32, #tpu.memory_space<hbm>>
    %dma_start3A_755 = arith.constant 0 : i32
    %dma_start3A_756 = tpu.memref_slice %arg7[%mul3A_2, %dma_start3A_755] : memref<4096x128xf32, #tpu.memory_space<hbm>> -> memref<128x128xf32, #tpu.memory_space<hbm>>
    tpu.enqueue_dma source(%arg17 : memref<128x128xf32, #tpu.memory_space<vmem>>) target(%dma_start3A_756 : memref<128x128xf32, #tpu.memory_space<hbm>>) target_semaphore(%arg23 : memref<!tpu.dma_semaphore, #tpu.memory_space<semaphore_mem>>)
    %dma_start3A_757 = arith.constant 3 : i32
    %dma_start3A_758 = arith.constant 0 : i32
    %dma_start3A_759 = tpu.memref_slice %arg16[%dma_start3A_757, %dma_start3A_758] : memref<9x128xi32, #tpu.memory_space<vmem>> -> memref<1x128xi32, #tpu.memory_space<vmem>>
    %dma_start3A_760 = tpu.memref_squeeze %dma_start3A_759 : memref<1x128xi32, #tpu.memory_space<vmem>> -> memref<128xi32, #tpu.memory_space<vmem>>
    %dma_start3A_761 = arith.constant 0 : i32
    %dma_start3A_762 = arith.constant 0 : i32
    %dma_start3A_763 = tpu.memref_slice %arg3[%dma_start3A_761, %dma_start3A_762] : memref<300000x128xf32, #tpu.memory_space<hbm>> -> memref<300000x128xf32, #tpu.memory_space<hbm>>
    tpu.enqueue_indirect_dma source(%dma_start3A_763 : memref<300000x128xf32, #tpu.memory_space<hbm>>) target(%arg20 : memref<128x128xf32, #tpu.memory_space<vmem>>) offsets(%dma_start3A_760 : memref<128xi32, #tpu.memory_space<vmem>>) semaphore(%arg22 : memref<!tpu.dma_semaphore, #tpu.memory_space<semaphore_mem>>)
    %dma_wait3A_764 = arith.constant 1 : i32
    %dma_wait3A_765 = arith.constant 0 : i32
    %dma_wait3A_766 = tpu.memref_slice %arg16[%dma_wait3A_764, %dma_wait3A_765] : memref<9x128xi32, #tpu.memory_space<vmem>> -> memref<1x128xi32, #tpu.memory_space<vmem>>
    %dma_wait3A_767 = tpu.memref_squeeze %dma_wait3A_766 : memref<1x128xi32, #tpu.memory_space<vmem>> -> memref<128xi32, #tpu.memory_space<vmem>>
    %dma_wait3A_768 = arith.constant 0 : i32
    %dma_wait3A_769 = arith.constant 0 : i32
    %dma_wait3A_770 = tpu.memref_slice %arg2[%dma_wait3A_768, %dma_wait3A_769] : memref<300000x128xf32, #tpu.memory_space<hbm>> -> memref<300000x128xf32, #tpu.memory_space<hbm>>
    tpu.wait_indirect_dma semaphore(%arg22 : memref<!tpu.dma_semaphore, #tpu.memory_space<semaphore_mem>>) src(%dma_wait3A_770 : memref<300000x128xf32, #tpu.memory_space<hbm>>) dst(%arg18 : memref<128x128xf32, #tpu.memory_space<vmem>>)
    %dma_start3A_771 = arith.constant 0 : i32
    %dma_start3A_772 = tpu.memref_slice %arg8[%mul3A_2, %dma_start3A_771] : memref<4096x128xf32, #tpu.memory_space<hbm>> -> memref<128x128xf32, #tpu.memory_space<hbm>>
    %dma_start3A_773 = arith.constant 0 : i32
    %dma_start3A_774 = tpu.memref_slice %arg8[%mul3A_2, %dma_start3A_773] : memref<4096x128xf32, #tpu.memory_space<hbm>> -> memref<128x128xf32, #tpu.memory_space<hbm>>
    tpu.enqueue_dma source(%arg18 : memref<128x128xf32, #tpu.memory_space<vmem>>) target(%dma_start3A_774 : memref<128x128xf32, #tpu.memory_space<hbm>>) target_semaphore(%arg23 : memref<!tpu.dma_semaphore, #tpu.memory_space<semaphore_mem>>)
    %dma_wait3A_775 = arith.constant 0 : i32
    %dma_wait3A_776 = tpu.memref_slice %arg7[%mul3A_2, %dma_wait3A_775] : memref<4096x128xf32, #tpu.memory_space<hbm>> -> memref<128x128xf32, #tpu.memory_space<hbm>>
    %dma_wait3A_777 = arith.constant 0 : i32
    %dma_wait3A_778 = tpu.memref_slice %arg7[%mul3A_2, %dma_wait3A_777] : memref<4096x128xf32, #tpu.memory_space<hbm>> -> memref<128x128xf32, #tpu.memory_space<hbm>>
    tpu.wait_dma2 semaphore(%arg23 : memref<!tpu.dma_semaphore, #tpu.memory_space<semaphore_mem>>) src(%arg17 : memref<128x128xf32, #tpu.memory_space<vmem>>) dst(%dma_wait3A_778 : memref<128x128xf32, #tpu.memory_space<hbm>>)
    %dma_start3A_779 = arith.constant 4 : i32
    %dma_start3A_780 = arith.constant 0 : i32
    %dma_start3A_781 = tpu.memref_slice %arg16[%dma_start3A_779, %dma_start3A_780] : memref<9x128xi32, #tpu.memory_space<vmem>> -> memref<1x128xi32, #tpu.memory_space<vmem>>
    %dma_start3A_782 = tpu.memref_squeeze %dma_start3A_781 : memref<1x128xi32, #tpu.memory_space<vmem>> -> memref<128xi32, #tpu.memory_space<vmem>>
    %dma_start3A_783 = arith.constant 0 : i32
    %dma_start3A_784 = arith.constant 0 : i32
    %dma_start3A_785 = tpu.memref_slice %arg3[%dma_start3A_783, %dma_start3A_784] : memref<300000x128xf32, #tpu.memory_space<hbm>> -> memref<300000x128xf32, #tpu.memory_space<hbm>>
    tpu.enqueue_indirect_dma source(%dma_start3A_785 : memref<300000x128xf32, #tpu.memory_space<hbm>>) target(%arg17 : memref<128x128xf32, #tpu.memory_space<vmem>>) offsets(%dma_start3A_782 : memref<128xi32, #tpu.memory_space<vmem>>) semaphore(%arg22 : memref<!tpu.dma_semaphore, #tpu.memory_space<semaphore_mem>>)
    %dma_wait3A_786 = arith.constant 2 : i32
    %dma_wait3A_787 = arith.constant 0 : i32
    %dma_wait3A_788 = tpu.memref_slice %arg16[%dma_wait3A_786, %dma_wait3A_787] : memref<9x128xi32, #tpu.memory_space<vmem>> -> memref<1x128xi32, #tpu.memory_space<vmem>>
    %dma_wait3A_789 = tpu.memref_squeeze %dma_wait3A_788 : memref<1x128xi32, #tpu.memory_space<vmem>> -> memref<128xi32, #tpu.memory_space<vmem>>
    %dma_wait3A_790 = arith.constant 0 : i32
    %dma_wait3A_791 = arith.constant 0 : i32
    %dma_wait3A_792 = tpu.memref_slice %arg2[%dma_wait3A_790, %dma_wait3A_791] : memref<300000x128xf32, #tpu.memory_space<hbm>> -> memref<300000x128xf32, #tpu.memory_space<hbm>>
    tpu.wait_indirect_dma semaphore(%arg22 : memref<!tpu.dma_semaphore, #tpu.memory_space<semaphore_mem>>) src(%dma_wait3A_792 : memref<300000x128xf32, #tpu.memory_space<hbm>>) dst(%arg19 : memref<128x128xf32, #tpu.memory_space<vmem>>)
    %dma_start3A_793 = arith.constant 0 : i32
    %dma_start3A_794 = tpu.memref_slice %arg9[%mul3A_2, %dma_start3A_793] : memref<4096x128xf32, #tpu.memory_space<hbm>> -> memref<128x128xf32, #tpu.memory_space<hbm>>
    %dma_start3A_795 = arith.constant 0 : i32
    %dma_start3A_796 = tpu.memref_slice %arg9[%mul3A_2, %dma_start3A_795] : memref<4096x128xf32, #tpu.memory_space<hbm>> -> memref<128x128xf32, #tpu.memory_space<hbm>>
    tpu.enqueue_dma source(%arg19 : memref<128x128xf32, #tpu.memory_space<vmem>>) target(%dma_start3A_796 : memref<128x128xf32, #tpu.memory_space<hbm>>) target_semaphore(%arg23 : memref<!tpu.dma_semaphore, #tpu.memory_space<semaphore_mem>>)
    %dma_wait3A_797 = arith.constant 0 : i32
    %dma_wait3A_798 = tpu.memref_slice %arg8[%mul3A_2, %dma_wait3A_797] : memref<4096x128xf32, #tpu.memory_space<hbm>> -> memref<128x128xf32, #tpu.memory_space<hbm>>
    %dma_wait3A_799 = arith.constant 0 : i32
    %dma_wait3A_800 = tpu.memref_slice %arg8[%mul3A_2, %dma_wait3A_799] : memref<4096x128xf32, #tpu.memory_space<hbm>> -> memref<128x128xf32, #tpu.memory_space<hbm>>
    tpu.wait_dma2 semaphore(%arg23 : memref<!tpu.dma_semaphore, #tpu.memory_space<semaphore_mem>>) src(%arg18 : memref<128x128xf32, #tpu.memory_space<vmem>>) dst(%dma_wait3A_800 : memref<128x128xf32, #tpu.memory_space<hbm>>)
    %dma_start3A_801 = arith.constant 5 : i32
    %dma_start3A_802 = arith.constant 0 : i32
    %dma_start3A_803 = tpu.memref_slice %arg16[%dma_start3A_801, %dma_start3A_802] : memref<9x128xi32, #tpu.memory_space<vmem>> -> memref<1x128xi32, #tpu.memory_space<vmem>>
    %dma_start3A_804 = tpu.memref_squeeze %dma_start3A_803 : memref<1x128xi32, #tpu.memory_space<vmem>> -> memref<128xi32, #tpu.memory_space<vmem>>
    %dma_start3A_805 = arith.constant 0 : i32
    %dma_start3A_806 = arith.constant 0 : i32
    %dma_start3A_807 = tpu.memref_slice %arg3[%dma_start3A_805, %dma_start3A_806] : memref<300000x128xf32, #tpu.memory_space<hbm>> -> memref<300000x128xf32, #tpu.memory_space<hbm>>
    tpu.enqueue_indirect_dma source(%dma_start3A_807 : memref<300000x128xf32, #tpu.memory_space<hbm>>) target(%arg18 : memref<128x128xf32, #tpu.memory_space<vmem>>) offsets(%dma_start3A_804 : memref<128xi32, #tpu.memory_space<vmem>>) semaphore(%arg22 : memref<!tpu.dma_semaphore, #tpu.memory_space<semaphore_mem>>)
    %dma_wait3A_808 = arith.constant 3 : i32
    %dma_wait3A_809 = arith.constant 0 : i32
    %dma_wait3A_810 = tpu.memref_slice %arg16[%dma_wait3A_808, %dma_wait3A_809] : memref<9x128xi32, #tpu.memory_space<vmem>> -> memref<1x128xi32, #tpu.memory_space<vmem>>
    %dma_wait3A_811 = tpu.memref_squeeze %dma_wait3A_810 : memref<1x128xi32, #tpu.memory_space<vmem>> -> memref<128xi32, #tpu.memory_space<vmem>>
    %dma_wait3A_812 = arith.constant 0 : i32
    %dma_wait3A_813 = arith.constant 0 : i32
    %dma_wait3A_814 = tpu.memref_slice %arg3[%dma_wait3A_812, %dma_wait3A_813] : memref<300000x128xf32, #tpu.memory_space<hbm>> -> memref<300000x128xf32, #tpu.memory_space<hbm>>
    tpu.wait_indirect_dma semaphore(%arg22 : memref<!tpu.dma_semaphore, #tpu.memory_space<semaphore_mem>>) src(%dma_wait3A_814 : memref<300000x128xf32, #tpu.memory_space<hbm>>) dst(%arg20 : memref<128x128xf32, #tpu.memory_space<vmem>>)
    %dma_start3A_815 = arith.constant 0 : i32
    %dma_start3A_816 = tpu.memref_slice %arg10[%mul3A_2, %dma_start3A_815] : memref<4096x128xf32, #tpu.memory_space<hbm>> -> memref<128x128xf32, #tpu.memory_space<hbm>>
    %dma_start3A_817 = arith.constant 0 : i32
    %dma_start3A_818 = tpu.memref_slice %arg10[%mul3A_2, %dma_start3A_817] : memref<4096x128xf32, #tpu.memory_space<hbm>> -> memref<128x128xf32, #tpu.memory_space<hbm>>
    tpu.enqueue_dma source(%arg20 : memref<128x128xf32, #tpu.memory_space<vmem>>) target(%dma_start3A_818 : memref<128x128xf32, #tpu.memory_space<hbm>>) target_semaphore(%arg23 : memref<!tpu.dma_semaphore, #tpu.memory_space<semaphore_mem>>)
    %dma_wait3A_819 = arith.constant 0 : i32
    %dma_wait3A_820 = tpu.memref_slice %arg9[%mul3A_2, %dma_wait3A_819] : memref<4096x128xf32, #tpu.memory_space<hbm>> -> memref<128x128xf32, #tpu.memory_space<hbm>>
    %dma_wait3A_821 = arith.constant 0 : i32
    %dma_wait3A_822 = tpu.memref_slice %arg9[%mul3A_2, %dma_wait3A_821] : memref<4096x128xf32, #tpu.memory_space<hbm>> -> memref<128x128xf32, #tpu.memory_space<hbm>>
    tpu.wait_dma2 semaphore(%arg23 : memref<!tpu.dma_semaphore, #tpu.memory_space<semaphore_mem>>) src(%arg19 : memref<128x128xf32, #tpu.memory_space<vmem>>) dst(%dma_wait3A_822 : memref<128x128xf32, #tpu.memory_space<hbm>>)
    %dma_start3A_823 = arith.constant 6 : i32
    %dma_start3A_824 = arith.constant 0 : i32
    %dma_start3A_825 = tpu.memref_slice %arg16[%dma_start3A_823, %dma_start3A_824] : memref<9x128xi32, #tpu.memory_space<vmem>> -> memref<1x128xi32, #tpu.memory_space<vmem>>
    %dma_start3A_826 = tpu.memref_squeeze %dma_start3A_825 : memref<1x128xi32, #tpu.memory_space<vmem>> -> memref<128xi32, #tpu.memory_space<vmem>>
    %dma_start3A_827 = arith.constant 0 : i32
    %dma_start3A_828 = arith.constant 0 : i32
    %dma_start3A_829 = tpu.memref_slice %arg3[%dma_start3A_827, %dma_start3A_828] : memref<300000x128xf32, #tpu.memory_space<hbm>> -> memref<300000x128xf32, #tpu.memory_space<hbm>>
    tpu.enqueue_indirect_dma source(%dma_start3A_829 : memref<300000x128xf32, #tpu.memory_space<hbm>>) target(%arg19 : memref<128x128xf32, #tpu.memory_space<vmem>>) offsets(%dma_start3A_826 : memref<128xi32, #tpu.memory_space<vmem>>) semaphore(%arg22 : memref<!tpu.dma_semaphore, #tpu.memory_space<semaphore_mem>>)
    %dma_wait3A_830 = arith.constant 4 : i32
    %dma_wait3A_831 = arith.constant 0 : i32
    %dma_wait3A_832 = tpu.memref_slice %arg16[%dma_wait3A_830, %dma_wait3A_831] : memref<9x128xi32, #tpu.memory_space<vmem>> -> memref<1x128xi32, #tpu.memory_space<vmem>>
    %dma_wait3A_833 = tpu.memref_squeeze %dma_wait3A_832 : memref<1x128xi32, #tpu.memory_space<vmem>> -> memref<128xi32, #tpu.memory_space<vmem>>
    %dma_wait3A_834 = arith.constant 0 : i32
    %dma_wait3A_835 = arith.constant 0 : i32
    %dma_wait3A_836 = tpu.memref_slice %arg3[%dma_wait3A_834, %dma_wait3A_835] : memref<300000x128xf32, #tpu.memory_space<hbm>> -> memref<300000x128xf32, #tpu.memory_space<hbm>>
    tpu.wait_indirect_dma semaphore(%arg22 : memref<!tpu.dma_semaphore, #tpu.memory_space<semaphore_mem>>) src(%dma_wait3A_836 : memref<300000x128xf32, #tpu.memory_space<hbm>>) dst(%arg17 : memref<128x128xf32, #tpu.memory_space<vmem>>)
    %dma_start3A_837 = arith.constant 0 : i32
    %dma_start3A_838 = tpu.memref_slice %arg11[%mul3A_2, %dma_start3A_837] : memref<4096x128xf32, #tpu.memory_space<hbm>> -> memref<128x128xf32, #tpu.memory_space<hbm>>
    %dma_start3A_839 = arith.constant 0 : i32
    %dma_start3A_840 = tpu.memref_slice %arg11[%mul3A_2, %dma_start3A_839] : memref<4096x128xf32, #tpu.memory_space<hbm>> -> memref<128x128xf32, #tpu.memory_space<hbm>>
    tpu.enqueue_dma source(%arg17 : memref<128x128xf32, #tpu.memory_space<vmem>>) target(%dma_start3A_840 : memref<128x128xf32, #tpu.memory_space<hbm>>) target_semaphore(%arg23 : memref<!tpu.dma_semaphore, #tpu.memory_space<semaphore_mem>>)
    %dma_wait3A_841 = arith.constant 0 : i32
    %dma_wait3A_842 = tpu.memref_slice %arg10[%mul3A_2, %dma_wait3A_841] : memref<4096x128xf32, #tpu.memory_space<hbm>> -> memref<128x128xf32, #tpu.memory_space<hbm>>
    %dma_wait3A_843 = arith.constant 0 : i32
    %dma_wait3A_844 = tpu.memref_slice %arg10[%mul3A_2, %dma_wait3A_843] : memref<4096x128xf32, #tpu.memory_space<hbm>> -> memref<128x128xf32, #tpu.memory_space<hbm>>
    tpu.wait_dma2 semaphore(%arg23 : memref<!tpu.dma_semaphore, #tpu.memory_space<semaphore_mem>>) src(%arg20 : memref<128x128xf32, #tpu.memory_space<vmem>>) dst(%dma_wait3A_844 : memref<128x128xf32, #tpu.memory_space<hbm>>)
    %dma_start3A_845 = arith.constant 7 : i32
    %dma_start3A_846 = arith.constant 0 : i32
    %dma_start3A_847 = tpu.memref_slice %arg16[%dma_start3A_845, %dma_start3A_846] : memref<9x128xi32, #tpu.memory_space<vmem>> -> memref<1x128xi32, #tpu.memory_space<vmem>>
    %dma_start3A_848 = tpu.memref_squeeze %dma_start3A_847 : memref<1x128xi32, #tpu.memory_space<vmem>> -> memref<128xi32, #tpu.memory_space<vmem>>
    %dma_start3A_849 = arith.constant 0 : i32
    %dma_start3A_850 = arith.constant 0 : i32
    %dma_start3A_851 = tpu.memref_slice %arg3[%dma_start3A_849, %dma_start3A_850] : memref<300000x128xf32, #tpu.memory_space<hbm>> -> memref<300000x128xf32, #tpu.memory_space<hbm>>
    tpu.enqueue_indirect_dma source(%dma_start3A_851 : memref<300000x128xf32, #tpu.memory_space<hbm>>) target(%arg20 : memref<128x128xf32, #tpu.memory_space<vmem>>) offsets(%dma_start3A_848 : memref<128xi32, #tpu.memory_space<vmem>>) semaphore(%arg22 : memref<!tpu.dma_semaphore, #tpu.memory_space<semaphore_mem>>)
    %dma_wait3A_852 = arith.constant 5 : i32
    %dma_wait3A_853 = arith.constant 0 : i32
    %dma_wait3A_854 = tpu.memref_slice %arg16[%dma_wait3A_852, %dma_wait3A_853] : memref<9x128xi32, #tpu.memory_space<vmem>> -> memref<1x128xi32, #tpu.memory_space<vmem>>
    %dma_wait3A_855 = tpu.memref_squeeze %dma_wait3A_854 : memref<1x128xi32, #tpu.memory_space<vmem>> -> memref<128xi32, #tpu.memory_space<vmem>>
    %dma_wait3A_856 = arith.constant 0 : i32
    %dma_wait3A_857 = arith.constant 0 : i32
    %dma_wait3A_858 = tpu.memref_slice %arg3[%dma_wait3A_856, %dma_wait3A_857] : memref<300000x128xf32, #tpu.memory_space<hbm>> -> memref<300000x128xf32, #tpu.memory_space<hbm>>
    tpu.wait_indirect_dma semaphore(%arg22 : memref<!tpu.dma_semaphore, #tpu.memory_space<semaphore_mem>>) src(%dma_wait3A_858 : memref<300000x128xf32, #tpu.memory_space<hbm>>) dst(%arg18 : memref<128x128xf32, #tpu.memory_space<vmem>>)
    %dma_start3A_859 = arith.constant 0 : i32
    %dma_start3A_860 = tpu.memref_slice %arg12[%mul3A_2, %dma_start3A_859] : memref<4096x128xf32, #tpu.memory_space<hbm>> -> memref<128x128xf32, #tpu.memory_space<hbm>>
    %dma_start3A_861 = arith.constant 0 : i32
    %dma_start3A_862 = tpu.memref_slice %arg12[%mul3A_2, %dma_start3A_861] : memref<4096x128xf32, #tpu.memory_space<hbm>> -> memref<128x128xf32, #tpu.memory_space<hbm>>
    tpu.enqueue_dma source(%arg18 : memref<128x128xf32, #tpu.memory_space<vmem>>) target(%dma_start3A_862 : memref<128x128xf32, #tpu.memory_space<hbm>>) target_semaphore(%arg23 : memref<!tpu.dma_semaphore, #tpu.memory_space<semaphore_mem>>)
    %dma_wait3A_863 = arith.constant 0 : i32
    %dma_wait3A_864 = tpu.memref_slice %arg11[%mul3A_2, %dma_wait3A_863] : memref<4096x128xf32, #tpu.memory_space<hbm>> -> memref<128x128xf32, #tpu.memory_space<hbm>>
    %dma_wait3A_865 = arith.constant 0 : i32
    %dma_wait3A_866 = tpu.memref_slice %arg11[%mul3A_2, %dma_wait3A_865] : memref<4096x128xf32, #tpu.memory_space<hbm>> -> memref<128x128xf32, #tpu.memory_space<hbm>>
    tpu.wait_dma2 semaphore(%arg23 : memref<!tpu.dma_semaphore, #tpu.memory_space<semaphore_mem>>) src(%arg17 : memref<128x128xf32, #tpu.memory_space<vmem>>) dst(%dma_wait3A_866 : memref<128x128xf32, #tpu.memory_space<hbm>>)
    %dma_start3A_867 = arith.constant 8 : i32
    %dma_start3A_868 = arith.constant 0 : i32
    %dma_start3A_869 = tpu.memref_slice %arg16[%dma_start3A_867, %dma_start3A_868] : memref<9x128xi32, #tpu.memory_space<vmem>> -> memref<1x128xi32, #tpu.memory_space<vmem>>
    %dma_start3A_870 = tpu.memref_squeeze %dma_start3A_869 : memref<1x128xi32, #tpu.memory_space<vmem>> -> memref<128xi32, #tpu.memory_space<vmem>>
    %dma_start3A_871 = arith.constant 0 : i32
    %dma_start3A_872 = arith.constant 0 : i32
    %dma_start3A_873 = tpu.memref_slice %arg3[%dma_start3A_871, %dma_start3A_872] : memref<300000x128xf32, #tpu.memory_space<hbm>> -> memref<300000x128xf32, #tpu.memory_space<hbm>>
    tpu.enqueue_indirect_dma source(%dma_start3A_873 : memref<300000x128xf32, #tpu.memory_space<hbm>>) target(%arg17 : memref<128x128xf32, #tpu.memory_space<vmem>>) offsets(%dma_start3A_870 : memref<128xi32, #tpu.memory_space<vmem>>) semaphore(%arg22 : memref<!tpu.dma_semaphore, #tpu.memory_space<semaphore_mem>>)
    %dma_wait3A_874 = arith.constant 6 : i32
    %dma_wait3A_875 = arith.constant 0 : i32
    %dma_wait3A_876 = tpu.memref_slice %arg16[%dma_wait3A_874, %dma_wait3A_875] : memref<9x128xi32, #tpu.memory_space<vmem>> -> memref<1x128xi32, #tpu.memory_space<vmem>>
    %dma_wait3A_877 = tpu.memref_squeeze %dma_wait3A_876 : memref<1x128xi32, #tpu.memory_space<vmem>> -> memref<128xi32, #tpu.memory_space<vmem>>
    %dma_wait3A_878 = arith.constant 0 : i32
    %dma_wait3A_879 = arith.constant 0 : i32
    %dma_wait3A_880 = tpu.memref_slice %arg3[%dma_wait3A_878, %dma_wait3A_879] : memref<300000x128xf32, #tpu.memory_space<hbm>> -> memref<300000x128xf32, #tpu.memory_space<hbm>>
    tpu.wait_indirect_dma semaphore(%arg22 : memref<!tpu.dma_semaphore, #tpu.memory_space<semaphore_mem>>) src(%dma_wait3A_880 : memref<300000x128xf32, #tpu.memory_space<hbm>>) dst(%arg19 : memref<128x128xf32, #tpu.memory_space<vmem>>)
    %dma_start3A_881 = arith.constant 0 : i32
    %dma_start3A_882 = tpu.memref_slice %arg13[%mul3A_2, %dma_start3A_881] : memref<4096x128xf32, #tpu.memory_space<hbm>> -> memref<128x128xf32, #tpu.memory_space<hbm>>
    %dma_start3A_883 = arith.constant 0 : i32
    %dma_start3A_884 = tpu.memref_slice %arg13[%mul3A_2, %dma_start3A_883] : memref<4096x128xf32, #tpu.memory_space<hbm>> -> memref<128x128xf32, #tpu.memory_space<hbm>>
    tpu.enqueue_dma source(%arg19 : memref<128x128xf32, #tpu.memory_space<vmem>>) target(%dma_start3A_884 : memref<128x128xf32, #tpu.memory_space<hbm>>) target_semaphore(%arg23 : memref<!tpu.dma_semaphore, #tpu.memory_space<semaphore_mem>>)
    %dma_wait3A_885 = arith.constant 7 : i32
    %dma_wait3A_886 = arith.constant 0 : i32
    %dma_wait3A_887 = tpu.memref_slice %arg16[%dma_wait3A_885, %dma_wait3A_886] : memref<9x128xi32, #tpu.memory_space<vmem>> -> memref<1x128xi32, #tpu.memory_space<vmem>>
    %dma_wait3A_888 = tpu.memref_squeeze %dma_wait3A_887 : memref<1x128xi32, #tpu.memory_space<vmem>> -> memref<128xi32, #tpu.memory_space<vmem>>
    %dma_wait3A_889 = arith.constant 0 : i32
    %dma_wait3A_890 = arith.constant 0 : i32
    %dma_wait3A_891 = tpu.memref_slice %arg3[%dma_wait3A_889, %dma_wait3A_890] : memref<300000x128xf32, #tpu.memory_space<hbm>> -> memref<300000x128xf32, #tpu.memory_space<hbm>>
    tpu.wait_indirect_dma semaphore(%arg22 : memref<!tpu.dma_semaphore, #tpu.memory_space<semaphore_mem>>) src(%dma_wait3A_891 : memref<300000x128xf32, #tpu.memory_space<hbm>>) dst(%arg20 : memref<128x128xf32, #tpu.memory_space<vmem>>)
    %dma_start3A_892 = arith.constant 0 : i32
    %dma_start3A_893 = tpu.memref_slice %arg14[%mul3A_2, %dma_start3A_892] : memref<4096x128xf32, #tpu.memory_space<hbm>> -> memref<128x128xf32, #tpu.memory_space<hbm>>
    %dma_start3A_894 = arith.constant 0 : i32
    %dma_start3A_895 = tpu.memref_slice %arg14[%mul3A_2, %dma_start3A_894] : memref<4096x128xf32, #tpu.memory_space<hbm>> -> memref<128x128xf32, #tpu.memory_space<hbm>>
    tpu.enqueue_dma source(%arg20 : memref<128x128xf32, #tpu.memory_space<vmem>>) target(%dma_start3A_895 : memref<128x128xf32, #tpu.memory_space<hbm>>) target_semaphore(%arg23 : memref<!tpu.dma_semaphore, #tpu.memory_space<semaphore_mem>>)
    %dma_wait3A_896 = arith.constant 8 : i32
    %dma_wait3A_897 = arith.constant 0 : i32
    %dma_wait3A_898 = tpu.memref_slice %arg16[%dma_wait3A_896, %dma_wait3A_897] : memref<9x128xi32, #tpu.memory_space<vmem>> -> memref<1x128xi32, #tpu.memory_space<vmem>>
    %dma_wait3A_899 = tpu.memref_squeeze %dma_wait3A_898 : memref<1x128xi32, #tpu.memory_space<vmem>> -> memref<128xi32, #tpu.memory_space<vmem>>
    %dma_wait3A_900 = arith.constant 0 : i32
    %dma_wait3A_901 = arith.constant 0 : i32
    %dma_wait3A_902 = tpu.memref_slice %arg3[%dma_wait3A_900, %dma_wait3A_901] : memref<300000x128xf32, #tpu.memory_space<hbm>> -> memref<300000x128xf32, #tpu.memory_space<hbm>>
    tpu.wait_indirect_dma semaphore(%arg22 : memref<!tpu.dma_semaphore, #tpu.memory_space<semaphore_mem>>) src(%dma_wait3A_902 : memref<300000x128xf32, #tpu.memory_space<hbm>>) dst(%arg17 : memref<128x128xf32, #tpu.memory_space<vmem>>)
    %dma_start3A_903 = arith.constant 0 : i32
    %dma_start3A_904 = tpu.memref_slice %arg15[%mul3A_2, %dma_start3A_903] : memref<4096x128xf32, #tpu.memory_space<hbm>> -> memref<128x128xf32, #tpu.memory_space<hbm>>
    %dma_start3A_905 = arith.constant 0 : i32
    %dma_start3A_906 = tpu.memref_slice %arg15[%mul3A_2, %dma_start3A_905] : memref<4096x128xf32, #tpu.memory_space<hbm>> -> memref<128x128xf32, #tpu.memory_space<hbm>>
    tpu.enqueue_dma source(%arg17 : memref<128x128xf32, #tpu.memory_space<vmem>>) target(%dma_start3A_906 : memref<128x128xf32, #tpu.memory_space<hbm>>) target_semaphore(%arg23 : memref<!tpu.dma_semaphore, #tpu.memory_space<semaphore_mem>>)
    %dma_wait3A_907 = arith.constant 0 : i32
    %dma_wait3A_908 = tpu.memref_slice %arg12[%mul3A_2, %dma_wait3A_907] : memref<4096x128xf32, #tpu.memory_space<hbm>> -> memref<128x128xf32, #tpu.memory_space<hbm>>
    %dma_wait3A_909 = arith.constant 0 : i32
    %dma_wait3A_910 = tpu.memref_slice %arg12[%mul3A_2, %dma_wait3A_909] : memref<4096x128xf32, #tpu.memory_space<hbm>> -> memref<128x128xf32, #tpu.memory_space<hbm>>
    tpu.wait_dma2 semaphore(%arg23 : memref<!tpu.dma_semaphore, #tpu.memory_space<semaphore_mem>>) src(%arg18 : memref<128x128xf32, #tpu.memory_space<vmem>>) dst(%dma_wait3A_910 : memref<128x128xf32, #tpu.memory_space<hbm>>)
    %dma_wait3A_911 = arith.constant 0 : i32
    %dma_wait3A_912 = tpu.memref_slice %arg13[%mul3A_2, %dma_wait3A_911] : memref<4096x128xf32, #tpu.memory_space<hbm>> -> memref<128x128xf32, #tpu.memory_space<hbm>>
    %dma_wait3A_913 = arith.constant 0 : i32
    %dma_wait3A_914 = tpu.memref_slice %arg13[%mul3A_2, %dma_wait3A_913] : memref<4096x128xf32, #tpu.memory_space<hbm>> -> memref<128x128xf32, #tpu.memory_space<hbm>>
    tpu.wait_dma2 semaphore(%arg23 : memref<!tpu.dma_semaphore, #tpu.memory_space<semaphore_mem>>) src(%arg19 : memref<128x128xf32, #tpu.memory_space<vmem>>) dst(%dma_wait3A_914 : memref<128x128xf32, #tpu.memory_space<hbm>>)
    %dma_wait3A_915 = arith.constant 0 : i32
    %dma_wait3A_916 = tpu.memref_slice %arg14[%mul3A_2, %dma_wait3A_915] : memref<4096x128xf32, #tpu.memory_space<hbm>> -> memref<128x128xf32, #tpu.memory_space<hbm>>
    %dma_wait3A_917 = arith.constant 0 : i32
    %dma_wait3A_918 = tpu.memref_slice %arg14[%mul3A_2, %dma_wait3A_917] : memref<4096x128xf32, #tpu.memory_space<hbm>> -> memref<128x128xf32, #tpu.memory_space<hbm>>
    tpu.wait_dma2 semaphore(%arg23 : memref<!tpu.dma_semaphore, #tpu.memory_space<semaphore_mem>>) src(%arg20 : memref<128x128xf32, #tpu.memory_space<vmem>>) dst(%dma_wait3A_918 : memref<128x128xf32, #tpu.memory_space<hbm>>)
    %dma_wait3A_919 = arith.constant 0 : i32
    %dma_wait3A_920 = tpu.memref_slice %arg15[%mul3A_2, %dma_wait3A_919] : memref<4096x128xf32, #tpu.memory_space<hbm>> -> memref<128x128xf32, #tpu.memory_space<hbm>>
    %dma_wait3A_921 = arith.constant 0 : i32
    %dma_wait3A_922 = tpu.memref_slice %arg15[%mul3A_2, %dma_wait3A_921] : memref<4096x128xf32, #tpu.memory_space<hbm>> -> memref<128x128xf32, #tpu.memory_space<hbm>>
    tpu.wait_dma2 semaphore(%arg23 : memref<!tpu.dma_semaphore, #tpu.memory_space<semaphore_mem>>) src(%arg17 : memref<128x128xf32, #tpu.memory_space<vmem>>) dst(%dma_wait3A_922 : memref<128x128xf32, #tpu.memory_space<hbm>>)
    return
  }
}

module attributes {stable_mosaic.version = 14 : i64} {
  func.func @_dense_body(%arg0: i32, %arg1: memref<1024x128xf32, #tpu.memory_space<vmem>>, %arg2: memref<1024x128xf32, #tpu.memory_space<vmem>>, %arg3: memref<1024x128xf32, #tpu.memory_space<vmem>>, %arg4: memref<1024x128xf32, #tpu.memory_space<vmem>>, %arg5: memref<1024x128xf32, #tpu.memory_space<vmem>>, %arg6: memref<1024x128xf32, #tpu.memory_space<vmem>>, %arg7: memref<1024x128xf32, #tpu.memory_space<vmem>>, %arg8: memref<1024x128xf32, #tpu.memory_space<vmem>>, %arg9: memref<1024x128xf32, #tpu.memory_space<vmem>>, %arg10: memref<128x64xf32, #tpu.memory_space<vmem>>, %arg11: memref<128x64xf32, #tpu.memory_space<vmem>>, %arg12: memref<64x64xf32, #tpu.memory_space<vmem>>, %arg13: memref<64x1024xf32, #tpu.memory_space<vmem>>, %arg14: memref<64x1024xf32, #tpu.memory_space<vmem>>, %arg15: memref<64x1024xf32, #tpu.memory_space<vmem>>, %arg16: memref<64x1024xf32, #tpu.memory_space<vmem>>) attributes {dimension_semantics = [#tpu.dimension_semantics<arbitrary>], iteration_bounds = array<i64: 4>, scalar_prefetch = 0 : i64, scratch_operands = 0 : i64, tpu.core_type = #tpu.core_type<tc>, window_params = [{transform_indices = @transform_0, window_bounds = array<i64: 1024, 128>}, {transform_indices = @transform_1, window_bounds = array<i64: 1024, 128>}, {transform_indices = @transform_2, window_bounds = array<i64: 1024, 128>}, {transform_indices = @transform_3, window_bounds = array<i64: 1024, 128>}, {transform_indices = @transform_4, window_bounds = array<i64: 1024, 128>}, {transform_indices = @transform_5, window_bounds = array<i64: 1024, 128>}, {transform_indices = @transform_6, window_bounds = array<i64: 1024, 128>}, {transform_indices = @transform_7, window_bounds = array<i64: 1024, 128>}, {transform_indices = @transform_8, window_bounds = array<i64: 1024, 128>}, {pipeline_mode = #tpu.pipeline_mode<synchronous>, transform_indices = @transform_9, window_bounds = array<i64: 128, 64>}, {pipeline_mode = #tpu.pipeline_mode<synchronous>, transform_indices = @transform_10, window_bounds = array<i64: 128, 64>}, {pipeline_mode = #tpu.pipeline_mode<synchronous>, transform_indices = @transform_11, window_bounds = array<i64: 64, 64>}, {transform_indices = @transform_12, window_bounds = array<i64: 64, 1024>}, {transform_indices = @transform_13, window_bounds = array<i64: 64, 1024>}, {transform_indices = @transform_14, window_bounds = array<i64: 64, 1024>}, {transform_indices = @transform_15, window_bounds = array<i64: 64, 1024>}]} {
    %get3A = arith.constant 0 : index
    %get3A_0 = arith.constant 0 : index
    %get3A_1 = vector.load %arg10[%get3A, %get3A_0] : memref<128x64xf32, #tpu.memory_space<vmem>>, vector<128x64xf32>
    %get3A_2 = arith.constant 0 : index
    %get3A_3 = arith.constant 0 : index
    %get3A_4 = vector.load %arg11[%get3A_2, %get3A_3] : memref<128x64xf32, #tpu.memory_space<vmem>>, vector<128x64xf32>
    %get3A_5 = arith.constant 0 : index
    %get3A_6 = arith.constant 0 : index
    %get3A_7 = vector.load %arg12[%get3A_5, %get3A_6] : memref<64x64xf32, #tpu.memory_space<vmem>>, vector<64x64xf32>
    %get3A_8 = arith.constant 0 : index
    %get3A_9 = arith.constant 0 : index
    %get3A_10 = vector.load %arg1[%get3A_8, %get3A_9] : memref<1024x128xf32, #tpu.memory_space<vmem>>, vector<1024x128xf32>
    %dot_general3A = arith.constant dense<0.000000e+00> : vector<64x1024xf32>
    %dot_general3A_11 = tpu.matmul %get3A_1, %get3A_10, %dot_general3A {dimension_numbers = #tpu.dot_dimension_numbers<[0], [1], [1], [0], [0, 1, 1, 0], [], []>, transpose_lhs_hint = false} : vector<128x64xf32>, vector<1024x128xf32>, vector<64x1024xf32> -> vector<64x1024xf32>
    %get3A_12 = arith.constant 0 : index
    %get3A_13 = arith.constant 0 : index
    %get3A_14 = vector.load %arg2[%get3A_12, %get3A_13] : memref<1024x128xf32, #tpu.memory_space<vmem>>, vector<1024x128xf32>
    %dot_general3A_15 = arith.constant dense<0.000000e+00> : vector<64x1024xf32>
    %dot_general3A_16 = tpu.matmul %get3A_1, %get3A_14, %dot_general3A_15 {dimension_numbers = #tpu.dot_dimension_numbers<[0], [1], [1], [0], [0, 1, 1, 0], [], []>, transpose_lhs_hint = false} : vector<128x64xf32>, vector<1024x128xf32>, vector<64x1024xf32> -> vector<64x1024xf32>
    %get3A_17 = arith.constant 0 : index
    %get3A_18 = arith.constant 0 : index
    %get3A_19 = vector.load %arg3[%get3A_17, %get3A_18] : memref<1024x128xf32, #tpu.memory_space<vmem>>, vector<1024x128xf32>
    %dot_general3A_20 = arith.constant dense<0.000000e+00> : vector<64x1024xf32>
    %dot_general3A_21 = tpu.matmul %get3A_1, %get3A_19, %dot_general3A_20 {dimension_numbers = #tpu.dot_dimension_numbers<[0], [1], [1], [0], [0, 1, 1, 0], [], []>, transpose_lhs_hint = false} : vector<128x64xf32>, vector<1024x128xf32>, vector<64x1024xf32> -> vector<64x1024xf32>
    %dot_general3A_22 = arith.constant dense<0.000000e+00> : vector<64x1024xf32>
    %dot_general3A_23 = tpu.matmul %get3A_7, %dot_general3A_11, %dot_general3A_22 {dimension_numbers = #tpu.dot_dimension_numbers<[0], [0], [1], [1], [0, 1, 1, 1], [], []>, transpose_lhs_hint = false} : vector<64x64xf32>, vector<64x1024xf32>, vector<64x1024xf32> -> vector<64x1024xf32>
    %dot_general3A_24 = arith.constant dense<0.000000e+00> : vector<64x1024xf32>
    %dot_general3A_25 = tpu.matmul %get3A_7, %dot_general3A_16, %dot_general3A_24 {dimension_numbers = #tpu.dot_dimension_numbers<[0], [0], [1], [1], [0, 1, 1, 1], [], []>, transpose_lhs_hint = false} : vector<64x64xf32>, vector<64x1024xf32>, vector<64x1024xf32> -> vector<64x1024xf32>
    %dot_general3A_26 = arith.constant dense<0.000000e+00> : vector<64x1024xf32>
    %dot_general3A_27 = tpu.matmul %get3A_7, %dot_general3A_21, %dot_general3A_26 {dimension_numbers = #tpu.dot_dimension_numbers<[0], [0], [1], [1], [0, 1, 1, 1], [], []>, transpose_lhs_hint = false} : vector<64x64xf32>, vector<64x1024xf32>, vector<64x1024xf32> -> vector<64x1024xf32>
    %get3A_28 = arith.constant 0 : index
    %get3A_29 = arith.constant 0 : index
    %get3A_30 = vector.load %arg4[%get3A_28, %get3A_29] : memref<1024x128xf32, #tpu.memory_space<vmem>>, vector<1024x128xf32>
    %dot_general3A_31 = arith.constant dense<0.000000e+00> : vector<64x1024xf32>
    %dot_general3A_32 = tpu.matmul %get3A_4, %get3A_30, %dot_general3A_31 {dimension_numbers = #tpu.dot_dimension_numbers<[0], [1], [1], [0], [0, 1, 1, 0], [], []>, transpose_lhs_hint = false} : vector<128x64xf32>, vector<1024x128xf32>, vector<64x1024xf32> -> vector<64x1024xf32>
    %get3A_33 = arith.constant 0 : index
    %get3A_34 = arith.constant 0 : index
    %get3A_35 = vector.load %arg5[%get3A_33, %get3A_34] : memref<1024x128xf32, #tpu.memory_space<vmem>>, vector<1024x128xf32>
    %dot_general3A_36 = arith.constant dense<0.000000e+00> : vector<64x1024xf32>
    %dot_general3A_37 = tpu.matmul %get3A_4, %get3A_35, %dot_general3A_36 {dimension_numbers = #tpu.dot_dimension_numbers<[0], [1], [1], [0], [0, 1, 1, 0], [], []>, transpose_lhs_hint = false} : vector<128x64xf32>, vector<1024x128xf32>, vector<64x1024xf32> -> vector<64x1024xf32>
    %get3A_38 = arith.constant 0 : index
    %get3A_39 = arith.constant 0 : index
    %get3A_40 = vector.load %arg6[%get3A_38, %get3A_39] : memref<1024x128xf32, #tpu.memory_space<vmem>>, vector<1024x128xf32>
    %dot_general3A_41 = arith.constant dense<0.000000e+00> : vector<64x1024xf32>
    %dot_general3A_42 = tpu.matmul %get3A_4, %get3A_40, %dot_general3A_41 {dimension_numbers = #tpu.dot_dimension_numbers<[0], [1], [1], [0], [0, 1, 1, 0], [], []>, transpose_lhs_hint = false} : vector<128x64xf32>, vector<1024x128xf32>, vector<64x1024xf32> -> vector<64x1024xf32>
    %mul3A = arith.mulf %dot_general3A_23, %dot_general3A_32 : vector<64x1024xf32>
    %reduce_sum3A = arith.constant dense<0.000000e+00> : vector<1024xf32>
    %reduce_sum3A_43 = vector.multi_reduction <add>, %mul3A, %reduce_sum3A [0] : vector<64x1024xf32> to vector<1024xf32>
    %broadcast_in_dim3A = vector.shape_cast %reduce_sum3A_43 : vector<1024xf32> to vector<1x1024xf32>
    %mul3A_44 = arith.mulf %dot_general3A_23, %dot_general3A_37 : vector<64x1024xf32>
    %reduce_sum3A_45 = arith.constant dense<0.000000e+00> : vector<1024xf32>
    %reduce_sum3A_46 = vector.multi_reduction <add>, %mul3A_44, %reduce_sum3A_45 [0] : vector<64x1024xf32> to vector<1024xf32>
    %broadcast_in_dim3A_47 = vector.shape_cast %reduce_sum3A_46 : vector<1024xf32> to vector<1x1024xf32>
    %mul3A_48 = arith.mulf %dot_general3A_23, %dot_general3A_42 : vector<64x1024xf32>
    %reduce_sum3A_49 = arith.constant dense<0.000000e+00> : vector<1024xf32>
    %reduce_sum3A_50 = vector.multi_reduction <add>, %mul3A_48, %reduce_sum3A_49 [0] : vector<64x1024xf32> to vector<1024xf32>
    %broadcast_in_dim3A_51 = vector.shape_cast %reduce_sum3A_50 : vector<1024xf32> to vector<1x1024xf32>
    %mul3A_52 = arith.mulf %dot_general3A_25, %dot_general3A_32 : vector<64x1024xf32>
    %reduce_sum3A_53 = arith.constant dense<0.000000e+00> : vector<1024xf32>
    %reduce_sum3A_54 = vector.multi_reduction <add>, %mul3A_52, %reduce_sum3A_53 [0] : vector<64x1024xf32> to vector<1024xf32>
    %broadcast_in_dim3A_55 = vector.shape_cast %reduce_sum3A_54 : vector<1024xf32> to vector<1x1024xf32>
    %mul3A_56 = arith.mulf %dot_general3A_25, %dot_general3A_37 : vector<64x1024xf32>
    %reduce_sum3A_57 = arith.constant dense<0.000000e+00> : vector<1024xf32>
    %reduce_sum3A_58 = vector.multi_reduction <add>, %mul3A_56, %reduce_sum3A_57 [0] : vector<64x1024xf32> to vector<1024xf32>
    %broadcast_in_dim3A_59 = vector.shape_cast %reduce_sum3A_58 : vector<1024xf32> to vector<1x1024xf32>
    %mul3A_60 = arith.mulf %dot_general3A_25, %dot_general3A_42 : vector<64x1024xf32>
    %reduce_sum3A_61 = arith.constant dense<0.000000e+00> : vector<1024xf32>
    %reduce_sum3A_62 = vector.multi_reduction <add>, %mul3A_60, %reduce_sum3A_61 [0] : vector<64x1024xf32> to vector<1024xf32>
    %broadcast_in_dim3A_63 = vector.shape_cast %reduce_sum3A_62 : vector<1024xf32> to vector<1x1024xf32>
    %mul3A_64 = arith.mulf %dot_general3A_27, %dot_general3A_32 : vector<64x1024xf32>
    %reduce_sum3A_65 = arith.constant dense<0.000000e+00> : vector<1024xf32>
    %reduce_sum3A_66 = vector.multi_reduction <add>, %mul3A_64, %reduce_sum3A_65 [0] : vector<64x1024xf32> to vector<1024xf32>
    %broadcast_in_dim3A_67 = vector.shape_cast %reduce_sum3A_66 : vector<1024xf32> to vector<1x1024xf32>
    %mul3A_68 = arith.mulf %dot_general3A_27, %dot_general3A_37 : vector<64x1024xf32>
    %reduce_sum3A_69 = arith.constant dense<0.000000e+00> : vector<1024xf32>
    %reduce_sum3A_70 = vector.multi_reduction <add>, %mul3A_68, %reduce_sum3A_69 [0] : vector<64x1024xf32> to vector<1024xf32>
    %broadcast_in_dim3A_71 = vector.shape_cast %reduce_sum3A_70 : vector<1024xf32> to vector<1x1024xf32>
    %mul3A_72 = arith.mulf %dot_general3A_27, %dot_general3A_42 : vector<64x1024xf32>
    %reduce_sum3A_73 = arith.constant dense<0.000000e+00> : vector<1024xf32>
    %reduce_sum3A_74 = vector.multi_reduction <add>, %mul3A_72, %reduce_sum3A_73 [0] : vector<64x1024xf32> to vector<1024xf32>
    %broadcast_in_dim3A_75 = vector.shape_cast %reduce_sum3A_74 : vector<1024xf32> to vector<1x1024xf32>
    %max3A = arith.maximumf %broadcast_in_dim3A, %broadcast_in_dim3A_47 : vector<1x1024xf32>
    %max3A_76 = arith.maximumf %max3A, %broadcast_in_dim3A_51 : vector<1x1024xf32>
    %max3A_77 = arith.maximumf %broadcast_in_dim3A_55, %broadcast_in_dim3A_59 : vector<1x1024xf32>
    %max3A_78 = arith.maximumf %max3A_77, %broadcast_in_dim3A_63 : vector<1x1024xf32>
    %max3A_79 = arith.maximumf %broadcast_in_dim3A_67, %broadcast_in_dim3A_71 : vector<1x1024xf32>
    %max3A_80 = arith.maximumf %max3A_79, %broadcast_in_dim3A_75 : vector<1x1024xf32>
    %max3A_81 = arith.maximumf %broadcast_in_dim3A, %broadcast_in_dim3A_55 : vector<1x1024xf32>
    %max3A_82 = arith.maximumf %max3A_81, %broadcast_in_dim3A_67 : vector<1x1024xf32>
    %max3A_83 = arith.maximumf %broadcast_in_dim3A_47, %broadcast_in_dim3A_59 : vector<1x1024xf32>
    %max3A_84 = arith.maximumf %max3A_83, %broadcast_in_dim3A_71 : vector<1x1024xf32>
    %max3A_85 = arith.maximumf %broadcast_in_dim3A_51, %broadcast_in_dim3A_63 : vector<1x1024xf32>
    %max3A_86 = arith.maximumf %max3A_85, %broadcast_in_dim3A_75 : vector<1x1024xf32>
    %max3A_87 = arith.maximumf %max3A_76, %max3A_78 : vector<1x1024xf32>
    %max3A_88 = arith.maximumf %max3A_87, %max3A_80 : vector<1x1024xf32>
    %sub3A = arith.subf %max3A_76, %max3A_88 : vector<1x1024xf32>
    %exp3A = math.exp %sub3A : vector<1x1024xf32>
    %sub3A_89 = arith.subf %max3A_78, %max3A_88 : vector<1x1024xf32>
    %exp3A_90 = math.exp %sub3A_89 : vector<1x1024xf32>
    %sub3A_91 = arith.subf %max3A_80, %max3A_88 : vector<1x1024xf32>
    %exp3A_92 = math.exp %sub3A_91 : vector<1x1024xf32>
    %add3A = arith.addf %exp3A, %exp3A_90 : vector<1x1024xf32>
    %add3A_93 = arith.addf %add3A, %exp3A_92 : vector<1x1024xf32>
    %mul3A_94 = vector.broadcast %exp3A : vector<1x1024xf32> to vector<64x1024xf32>
    %mul3A_95 = arith.mulf %mul3A_94, %dot_general3A_11 : vector<64x1024xf32>
    %mul3A_96 = vector.broadcast %exp3A_90 : vector<1x1024xf32> to vector<64x1024xf32>
    %mul3A_97 = arith.mulf %mul3A_96, %dot_general3A_16 : vector<64x1024xf32>
    %add3A_98 = arith.addf %mul3A_95, %mul3A_97 : vector<64x1024xf32>
    %mul3A_99 = vector.broadcast %exp3A_92 : vector<1x1024xf32> to vector<64x1024xf32>
    %mul3A_100 = arith.mulf %mul3A_99, %dot_general3A_21 : vector<64x1024xf32>
    %add3A_101 = arith.addf %add3A_98, %mul3A_100 : vector<64x1024xf32>
    %div3A = vector.broadcast %add3A_93 : vector<1x1024xf32> to vector<64x1024xf32>
    %div3A_102 = arith.divf %add3A_101, %div3A : vector<64x1024xf32>
    %swap3A = arith.constant 0 : index
    %swap3A_103 = arith.constant 0 : index
    %swap3A_104 = vector.load %arg13[%swap3A, %swap3A_103] : memref<64x1024xf32, #tpu.memory_space<vmem>>, vector<64x1024xf32>
    tpu.vector_store %arg13[%swap3A, %swap3A_103], %div3A_102 {strides = array<i32>} : memref<64x1024xf32, #tpu.memory_space<vmem>>, vector<64x1024xf32>,
    %max3A_105 = arith.maximumf %max3A_82, %max3A_84 : vector<1x1024xf32>
    %max3A_106 = arith.maximumf %max3A_105, %max3A_86 : vector<1x1024xf32>
    %sub3A_107 = arith.subf %max3A_82, %max3A_106 : vector<1x1024xf32>
    %exp3A_108 = math.exp %sub3A_107 : vector<1x1024xf32>
    %sub3A_109 = arith.subf %max3A_84, %max3A_106 : vector<1x1024xf32>
    %exp3A_110 = math.exp %sub3A_109 : vector<1x1024xf32>
    %sub3A_111 = arith.subf %max3A_86, %max3A_106 : vector<1x1024xf32>
    %exp3A_112 = math.exp %sub3A_111 : vector<1x1024xf32>
    %add3A_113 = arith.addf %exp3A_108, %exp3A_110 : vector<1x1024xf32>
    %add3A_114 = arith.addf %add3A_113, %exp3A_112 : vector<1x1024xf32>
    %mul3A_115 = vector.broadcast %exp3A_108 : vector<1x1024xf32> to vector<64x1024xf32>
    %mul3A_116 = arith.mulf %mul3A_115, %dot_general3A_32 : vector<64x1024xf32>
    %mul3A_117 = vector.broadcast %exp3A_110 : vector<1x1024xf32> to vector<64x1024xf32>
    %mul3A_118 = arith.mulf %mul3A_117, %dot_general3A_37 : vector<64x1024xf32>
    %add3A_119 = arith.addf %mul3A_116, %mul3A_118 : vector<64x1024xf32>
    %mul3A_120 = vector.broadcast %exp3A_112 : vector<1x1024xf32> to vector<64x1024xf32>
    %mul3A_121 = arith.mulf %mul3A_120, %dot_general3A_42 : vector<64x1024xf32>
    %add3A_122 = arith.addf %add3A_119, %mul3A_121 : vector<64x1024xf32>
    %div3A_123 = vector.broadcast %add3A_114 : vector<1x1024xf32> to vector<64x1024xf32>
    %div3A_124 = arith.divf %add3A_122, %div3A_123 : vector<64x1024xf32>
    %swap3A_125 = arith.constant 0 : index
    %swap3A_126 = arith.constant 0 : index
    %swap3A_127 = vector.load %arg14[%swap3A_125, %swap3A_126] : memref<64x1024xf32, #tpu.memory_space<vmem>>, vector<64x1024xf32>
    tpu.vector_store %arg14[%swap3A_125, %swap3A_126], %div3A_124 {strides = array<i32>} : memref<64x1024xf32, #tpu.memory_space<vmem>>, vector<64x1024xf32>,
    %get3A_128 = arith.constant 0 : index
    %get3A_129 = arith.constant 0 : index
    %get3A_130 = vector.load %arg7[%get3A_128, %get3A_129] : memref<1024x128xf32, #tpu.memory_space<vmem>>, vector<1024x128xf32>
    %dot_general3A_131 = arith.constant dense<0.000000e+00> : vector<64x1024xf32>
    %dot_general3A_132 = tpu.matmul %get3A_4, %get3A_130, %dot_general3A_131 {dimension_numbers = #tpu.dot_dimension_numbers<[0], [1], [1], [0], [0, 1, 1, 0], [], []>, transpose_lhs_hint = false} : vector<128x64xf32>, vector<1024x128xf32>, vector<64x1024xf32> -> vector<64x1024xf32>
    %get3A_133 = arith.constant 0 : index
    %get3A_134 = arith.constant 0 : index
    %get3A_135 = vector.load %arg8[%get3A_133, %get3A_134] : memref<1024x128xf32, #tpu.memory_space<vmem>>, vector<1024x128xf32>
    %dot_general3A_136 = arith.constant dense<0.000000e+00> : vector<64x1024xf32>
    %dot_general3A_137 = tpu.matmul %get3A_4, %get3A_135, %dot_general3A_136 {dimension_numbers = #tpu.dot_dimension_numbers<[0], [1], [1], [0], [0, 1, 1, 0], [], []>, transpose_lhs_hint = false} : vector<128x64xf32>, vector<1024x128xf32>, vector<64x1024xf32> -> vector<64x1024xf32>
    %get3A_138 = arith.constant 0 : index
    %get3A_139 = arith.constant 0 : index
    %get3A_140 = vector.load %arg9[%get3A_138, %get3A_139] : memref<1024x128xf32, #tpu.memory_space<vmem>>, vector<1024x128xf32>
    %dot_general3A_141 = arith.constant dense<0.000000e+00> : vector<64x1024xf32>
    %dot_general3A_142 = tpu.matmul %get3A_4, %get3A_140, %dot_general3A_141 {dimension_numbers = #tpu.dot_dimension_numbers<[0], [1], [1], [0], [0, 1, 1, 0], [], []>, transpose_lhs_hint = false} : vector<128x64xf32>, vector<1024x128xf32>, vector<64x1024xf32> -> vector<64x1024xf32>
    %mul3A_143 = arith.mulf %dot_general3A_23, %dot_general3A_132 : vector<64x1024xf32>
    %reduce_sum3A_144 = arith.constant dense<0.000000e+00> : vector<1024xf32>
    %reduce_sum3A_145 = vector.multi_reduction <add>, %mul3A_143, %reduce_sum3A_144 [0] : vector<64x1024xf32> to vector<1024xf32>
    %broadcast_in_dim3A_146 = vector.shape_cast %reduce_sum3A_145 : vector<1024xf32> to vector<1x1024xf32>
    %mul3A_147 = arith.mulf %dot_general3A_23, %dot_general3A_137 : vector<64x1024xf32>
    %reduce_sum3A_148 = arith.constant dense<0.000000e+00> : vector<1024xf32>
    %reduce_sum3A_149 = vector.multi_reduction <add>, %mul3A_147, %reduce_sum3A_148 [0] : vector<64x1024xf32> to vector<1024xf32>
    %broadcast_in_dim3A_150 = vector.shape_cast %reduce_sum3A_149 : vector<1024xf32> to vector<1x1024xf32>
    %mul3A_151 = arith.mulf %dot_general3A_23, %dot_general3A_142 : vector<64x1024xf32>
    %reduce_sum3A_152 = arith.constant dense<0.000000e+00> : vector<1024xf32>
    %reduce_sum3A_153 = vector.multi_reduction <add>, %mul3A_151, %reduce_sum3A_152 [0] : vector<64x1024xf32> to vector<1024xf32>
    %broadcast_in_dim3A_154 = vector.shape_cast %reduce_sum3A_153 : vector<1024xf32> to vector<1x1024xf32>
    %mul3A_155 = arith.mulf %dot_general3A_25, %dot_general3A_132 : vector<64x1024xf32>
    %reduce_sum3A_156 = arith.constant dense<0.000000e+00> : vector<1024xf32>
    %reduce_sum3A_157 = vector.multi_reduction <add>, %mul3A_155, %reduce_sum3A_156 [0] : vector<64x1024xf32> to vector<1024xf32>
    %broadcast_in_dim3A_158 = vector.shape_cast %reduce_sum3A_157 : vector<1024xf32> to vector<1x1024xf32>
    %mul3A_159 = arith.mulf %dot_general3A_25, %dot_general3A_137 : vector<64x1024xf32>
    %reduce_sum3A_160 = arith.constant dense<0.000000e+00> : vector<1024xf32>
    %reduce_sum3A_161 = vector.multi_reduction <add>, %mul3A_159, %reduce_sum3A_160 [0] : vector<64x1024xf32> to vector<1024xf32>
    %broadcast_in_dim3A_162 = vector.shape_cast %reduce_sum3A_161 : vector<1024xf32> to vector<1x1024xf32>
    %mul3A_163 = arith.mulf %dot_general3A_25, %dot_general3A_142 : vector<64x1024xf32>
    %reduce_sum3A_164 = arith.constant dense<0.000000e+00> : vector<1024xf32>
    %reduce_sum3A_165 = vector.multi_reduction <add>, %mul3A_163, %reduce_sum3A_164 [0] : vector<64x1024xf32> to vector<1024xf32>
    %broadcast_in_dim3A_166 = vector.shape_cast %reduce_sum3A_165 : vector<1024xf32> to vector<1x1024xf32>
    %mul3A_167 = arith.mulf %dot_general3A_27, %dot_general3A_132 : vector<64x1024xf32>
    %reduce_sum3A_168 = arith.constant dense<0.000000e+00> : vector<1024xf32>
    %reduce_sum3A_169 = vector.multi_reduction <add>, %mul3A_167, %reduce_sum3A_168 [0] : vector<64x1024xf32> to vector<1024xf32>
    %broadcast_in_dim3A_170 = vector.shape_cast %reduce_sum3A_169 : vector<1024xf32> to vector<1x1024xf32>
    %mul3A_171 = arith.mulf %dot_general3A_27, %dot_general3A_137 : vector<64x1024xf32>
    %reduce_sum3A_172 = arith.constant dense<0.000000e+00> : vector<1024xf32>
    %reduce_sum3A_173 = vector.multi_reduction <add>, %mul3A_171, %reduce_sum3A_172 [0] : vector<64x1024xf32> to vector<1024xf32>
    %broadcast_in_dim3A_174 = vector.shape_cast %reduce_sum3A_173 : vector<1024xf32> to vector<1x1024xf32>
    %mul3A_175 = arith.mulf %dot_general3A_27, %dot_general3A_142 : vector<64x1024xf32>
    %reduce_sum3A_176 = arith.constant dense<0.000000e+00> : vector<1024xf32>
    %reduce_sum3A_177 = vector.multi_reduction <add>, %mul3A_175, %reduce_sum3A_176 [0] : vector<64x1024xf32> to vector<1024xf32>
    %broadcast_in_dim3A_178 = vector.shape_cast %reduce_sum3A_177 : vector<1024xf32> to vector<1x1024xf32>
    %max3A_179 = arith.maximumf %broadcast_in_dim3A_146, %broadcast_in_dim3A_150 : vector<1x1024xf32>
    %max3A_180 = arith.maximumf %max3A_179, %broadcast_in_dim3A_154 : vector<1x1024xf32>
    %max3A_181 = arith.maximumf %broadcast_in_dim3A_158, %broadcast_in_dim3A_162 : vector<1x1024xf32>
    %max3A_182 = arith.maximumf %max3A_181, %broadcast_in_dim3A_166 : vector<1x1024xf32>
    %max3A_183 = arith.maximumf %broadcast_in_dim3A_170, %broadcast_in_dim3A_174 : vector<1x1024xf32>
    %max3A_184 = arith.maximumf %max3A_183, %broadcast_in_dim3A_178 : vector<1x1024xf32>
    %max3A_185 = arith.maximumf %broadcast_in_dim3A_146, %broadcast_in_dim3A_158 : vector<1x1024xf32>
    %max3A_186 = arith.maximumf %max3A_185, %broadcast_in_dim3A_170 : vector<1x1024xf32>
    %max3A_187 = arith.maximumf %broadcast_in_dim3A_150, %broadcast_in_dim3A_162 : vector<1x1024xf32>
    %max3A_188 = arith.maximumf %max3A_187, %broadcast_in_dim3A_174 : vector<1x1024xf32>
    %max3A_189 = arith.maximumf %broadcast_in_dim3A_154, %broadcast_in_dim3A_166 : vector<1x1024xf32>
    %max3A_190 = arith.maximumf %max3A_189, %broadcast_in_dim3A_178 : vector<1x1024xf32>
    %max3A_191 = arith.maximumf %max3A_180, %max3A_182 : vector<1x1024xf32>
    %max3A_192 = arith.maximumf %max3A_191, %max3A_184 : vector<1x1024xf32>
    %sub3A_193 = arith.subf %max3A_180, %max3A_192 : vector<1x1024xf32>
    %exp3A_194 = math.exp %sub3A_193 : vector<1x1024xf32>
    %sub3A_195 = arith.subf %max3A_182, %max3A_192 : vector<1x1024xf32>
    %exp3A_196 = math.exp %sub3A_195 : vector<1x1024xf32>
    %sub3A_197 = arith.subf %max3A_184, %max3A_192 : vector<1x1024xf32>
    %exp3A_198 = math.exp %sub3A_197 : vector<1x1024xf32>
    %add3A_199 = arith.addf %exp3A_194, %exp3A_196 : vector<1x1024xf32>
    %add3A_200 = arith.addf %add3A_199, %exp3A_198 : vector<1x1024xf32>
    %mul3A_201 = vector.broadcast %exp3A_194 : vector<1x1024xf32> to vector<64x1024xf32>
    %mul3A_202 = arith.mulf %mul3A_201, %dot_general3A_11 : vector<64x1024xf32>
    %mul3A_203 = vector.broadcast %exp3A_196 : vector<1x1024xf32> to vector<64x1024xf32>
    %mul3A_204 = arith.mulf %mul3A_203, %dot_general3A_16 : vector<64x1024xf32>
    %add3A_205 = arith.addf %mul3A_202, %mul3A_204 : vector<64x1024xf32>
    %mul3A_206 = vector.broadcast %exp3A_198 : vector<1x1024xf32> to vector<64x1024xf32>
    %mul3A_207 = arith.mulf %mul3A_206, %dot_general3A_21 : vector<64x1024xf32>
    %add3A_208 = arith.addf %add3A_205, %mul3A_207 : vector<64x1024xf32>
    %div3A_209 = vector.broadcast %add3A_200 : vector<1x1024xf32> to vector<64x1024xf32>
    %div3A_210 = arith.divf %add3A_208, %div3A_209 : vector<64x1024xf32>
    %swap3A_211 = arith.constant 0 : index
    %swap3A_212 = arith.constant 0 : index
    %swap3A_213 = vector.load %arg15[%swap3A_211, %swap3A_212] : memref<64x1024xf32, #tpu.memory_space<vmem>>, vector<64x1024xf32>
    tpu.vector_store %arg15[%swap3A_211, %swap3A_212], %div3A_210 {strides = array<i32>} : memref<64x1024xf32, #tpu.memory_space<vmem>>, vector<64x1024xf32>,
    %max3A_214 = arith.maximumf %max3A_186, %max3A_188 : vector<1x1024xf32>
    %max3A_215 = arith.maximumf %max3A_214, %max3A_190 : vector<1x1024xf32>
    %sub3A_216 = arith.subf %max3A_186, %max3A_215 : vector<1x1024xf32>
    %exp3A_217 = math.exp %sub3A_216 : vector<1x1024xf32>
    %sub3A_218 = arith.subf %max3A_188, %max3A_215 : vector<1x1024xf32>
    %exp3A_219 = math.exp %sub3A_218 : vector<1x1024xf32>
    %sub3A_220 = arith.subf %max3A_190, %max3A_215 : vector<1x1024xf32>
    %exp3A_221 = math.exp %sub3A_220 : vector<1x1024xf32>
    %add3A_222 = arith.addf %exp3A_217, %exp3A_219 : vector<1x1024xf32>
    %add3A_223 = arith.addf %add3A_222, %exp3A_221 : vector<1x1024xf32>
    %mul3A_224 = vector.broadcast %exp3A_217 : vector<1x1024xf32> to vector<64x1024xf32>
    %mul3A_225 = arith.mulf %mul3A_224, %dot_general3A_132 : vector<64x1024xf32>
    %mul3A_226 = vector.broadcast %exp3A_219 : vector<1x1024xf32> to vector<64x1024xf32>
    %mul3A_227 = arith.mulf %mul3A_226, %dot_general3A_137 : vector<64x1024xf32>
    %add3A_228 = arith.addf %mul3A_225, %mul3A_227 : vector<64x1024xf32>
    %mul3A_229 = vector.broadcast %exp3A_221 : vector<1x1024xf32> to vector<64x1024xf32>
    %mul3A_230 = arith.mulf %mul3A_229, %dot_general3A_142 : vector<64x1024xf32>
    %add3A_231 = arith.addf %add3A_228, %mul3A_230 : vector<64x1024xf32>
    %div3A_232 = vector.broadcast %add3A_223 : vector<1x1024xf32> to vector<64x1024xf32>
    %div3A_233 = arith.divf %add3A_231, %div3A_232 : vector<64x1024xf32>
    %swap3A_234 = arith.constant 0 : index
    %swap3A_235 = arith.constant 0 : index
    %swap3A_236 = vector.load %arg16[%swap3A_234, %swap3A_235] : memref<64x1024xf32, #tpu.memory_space<vmem>>, vector<64x1024xf32>
    tpu.vector_store %arg16[%swap3A_234, %swap3A_235], %div3A_233 {strides = array<i32>} : memref<64x1024xf32, #tpu.memory_space<vmem>>, vector<64x1024xf32>,
    return
  }
  func.func @transform_0(%arg0: i32) -> (i32, i32) {
    %c0_i32 = arith.constant 0 : i32
    %c0_i32_0 = arith.constant 0 : i32
    return %arg0, %c0_i32 : i32, i32
  }
  func.func @transform_1(%arg0: i32) -> (i32, i32) {
    %c0_i32 = arith.constant 0 : i32
    %c0_i32_0 = arith.constant 0 : i32
    return %arg0, %c0_i32 : i32, i32
  }
  func.func @transform_2(%arg0: i32) -> (i32, i32) {
    %c0_i32 = arith.constant 0 : i32
    %c0_i32_0 = arith.constant 0 : i32
    return %arg0, %c0_i32 : i32, i32
  }
  func.func @transform_3(%arg0: i32) -> (i32, i32) {
    %c0_i32 = arith.constant 0 : i32
    %c0_i32_0 = arith.constant 0 : i32
    return %arg0, %c0_i32 : i32, i32
  }
  func.func @transform_4(%arg0: i32) -> (i32, i32) {
    %c0_i32 = arith.constant 0 : i32
    %c0_i32_0 = arith.constant 0 : i32
    return %arg0, %c0_i32 : i32, i32
  }
  func.func @transform_5(%arg0: i32) -> (i32, i32) {
    %c0_i32 = arith.constant 0 : i32
    %c0_i32_0 = arith.constant 0 : i32
    return %arg0, %c0_i32 : i32, i32
  }
  func.func @transform_6(%arg0: i32) -> (i32, i32) {
    %c0_i32 = arith.constant 0 : i32
    %c0_i32_0 = arith.constant 0 : i32
    return %arg0, %c0_i32 : i32, i32
  }
  func.func @transform_7(%arg0: i32) -> (i32, i32) {
    %c0_i32 = arith.constant 0 : i32
    %c0_i32_0 = arith.constant 0 : i32
    return %arg0, %c0_i32 : i32, i32
  }
  func.func @transform_8(%arg0: i32) -> (i32, i32) {
    %c0_i32 = arith.constant 0 : i32
    %c0_i32_0 = arith.constant 0 : i32
    return %arg0, %c0_i32 : i32, i32
  }
  func.func @transform_9(%arg0: i32) -> (i32, i32) {
    %c0_i32 = arith.constant 0 : i32
    %c0_i32_0 = arith.constant 0 : i32
    %c0_i32_1 = arith.constant 0 : i32
    return %c0_i32, %c0_i32_0 : i32, i32
  }
  func.func @transform_10(%arg0: i32) -> (i32, i32) {
    %c0_i32 = arith.constant 0 : i32
    %c0_i32_0 = arith.constant 0 : i32
    %c0_i32_1 = arith.constant 0 : i32
    return %c0_i32, %c0_i32_0 : i32, i32
  }
  func.func @transform_11(%arg0: i32) -> (i32, i32) {
    %c0_i32 = arith.constant 0 : i32
    %c0_i32_0 = arith.constant 0 : i32
    %c0_i32_1 = arith.constant 0 : i32
    return %c0_i32, %c0_i32_0 : i32, i32
  }
  func.func @transform_12(%arg0: i32) -> (i32, i32) {
    %c0_i32 = arith.constant 0 : i32
    %c0_i32_0 = arith.constant 0 : i32
    return %c0_i32, %arg0 : i32, i32
  }
  func.func @transform_13(%arg0: i32) -> (i32, i32) {
    %c0_i32 = arith.constant 0 : i32
    %c0_i32_0 = arith.constant 0 : i32
    return %c0_i32, %arg0 : i32, i32
  }
  func.func @transform_14(%arg0: i32) -> (i32, i32) {
    %c0_i32 = arith.constant 0 : i32
    %c0_i32_0 = arith.constant 0 : i32
    return %c0_i32, %arg0 : i32, i32
  }
  func.func @transform_15(%arg0: i32) -> (i32, i32) {
    %c0_i32 = arith.constant 0 : i32
    %c0_i32_0 = arith.constant 0 : i32
    return %c0_i32, %arg0 : i32, i32
  }
}

</mosaic_0001>

<sc_bundles>
// kernel: kernel.4.cloned.1.call-start
scs
__scs_entry_jumppad:
0x0: {  	(pc) =	sbr.rel $0x88, $3  }
0x1: {  	(tag) =	ssettag $0x0;
	lr =	simm.s32 $0x1  }
0x2: {  	[smem:$0x3F99] =	sst lr;
	_ =	strace $0xD0000000  }
0x3: {  	_ = 	snop  }
0x4: {  	_ = 	snop  }
0x5: {  	_ = 	snop  }
0x6: {  	_ = 	snop  }
0x7: {  	_ = 	snop  }
__scs_overlays_trampoline_lowered:
0x8: {  	[smem:$0x3FA8] =	sst s0  }
0x9: {  	[smem:$0x3FA9] =	sst s1  }
0xa: {  	[smem:$0x3FAA] =	sst s2  }
0xb: {  	[smem:$0x3FAB] =	sst s3  }
0xc: {  	[smem:$0x3FAC] =	sst s4  }
0xd: {  	[smem:$0x3FAD] =	sst s5  }
0xe: {  	[smem:$0x3FAE] =	sst s6  }
0xf: {  	[smem:$0x3FAF] =	sst s7  }
0x10: {  	[smem:$0x3FB0] =	sst s8  }
0x11: {  	[smem:$0x3FB1] =	sst s9;
	s0 =	simm.s32 @!p0 $0x0  }
0x12: {  	s1 =	sld [smem:$0x3F97];
	s0 =	simm.s32 @p0 $0x1  }
0x13: {  	[smem:$0x3FB2] =	sst s0;
	s0 =	simm.s32 @!p1 $0x0  }
0x14: {  	s2 =	sld [smem:$0x3F96];
	s0 =	simm.s32 @p1 $0x1  }
0x15: {  	[smem:$0x3FB3] =	sst s0;
	s0 =	simm.s32 @!p2 $0x0  }
0x16: {  	s3 =	sld [smem:$0x3FDB];
	s0 =	simm.s32 @p2 $0x1  }
0x17: {  	s4 =	simm.s32 $0x1BF5;
	[smem:$0x3FB5] =	sst s0  }
0x18: {  	s0 =	sld [smem:$0x3F98];
	_ =	swait.ge [sflag:s4], $0x0  }
0x19: {  	s7 =	sld [smem:$0x3F99]  }
0x1a: {  	s8 =	sadd.s32 $0xFFFFE003, lr  }
0x1b: {  	s9 =	sadd.s32 $0xFFFFFEF7, lr;
	s5 =	simm.s32 $0xFFFFFFFF;
	p2 =	slt.u32 s8, $0xFFFFF086  }
0x1c: {  	p1 =	slt.u32 s9, $0xF7A;
	s5 =	simm.s32 @!p2 $0x0  }
0x1d: {  	s5 =	simm.s32 @p1 $0x1;
	p0 =	seq.s32 s7, s2  }
0x1e: {  	s7 =	smul.u32 @!p0 $0xF7A, s2;
	p2 =	seq.s32 @!p0 s5, $0x0  }
0x1f: {  	s9 =	smul.u32 $0xF7A, s1;
	s8 =	simm.s32 @!p0 $0x1BF5;
	p2 =	por !p2, p0  }
0x20: {  	[sflag:s8] =	ssyncset.s32 @!p0 $0xFFFFF086;
	s6 =	sadd.s32 @!p0 s3, s7;
	s7 =	simm.s32 @!p0 $0x108  }
0x21: {  	s3 =	sadd.s32 s3, s9;
	s6 =	sadd.s32 @!p0 $0x88, s6;
	s7 =	simm.s32 @p2 $0x1082  }
0x22: {  	[simem:s7], [sflag:s8] =	dma.local @!p0 [hbm:s6], $0xF7A  }
0x23: {  	s9 =	sor.u32 $0xD0000000, s2;
	s6 =	simm.s32 $0x108;
	_ =	swait.ge @!p0 [sflag:s8], $0x0  }
0x24: {  	s3 =	sadd.s32 $0x88, s3;
	s6 =	simm.s32 @!p1 $0x1082;
	[sflag:s4] =	ssyncset.s32 $0xFFFFF086  }
0x25: {  	[simem:s6], [sflag:s4] =	dma.local [hbm:s3], $0xF7A  }
0x26: {  	[smem:$0x3F99] =	sst s1;
	(tag) =	ssettag s2;
	_ =	strace s9  }
0x27: {  	s1 =	sld [smem:$0x3FA9]  }
0x28: {  	s2 =	sld [smem:$0x3FAA]  }
0x29: {  	s4 =	sld [smem:$0x3FAC]  }
0x2a: {  	p0 =	seq.s32 s5, $0x0;
	s5 =	sld [smem:$0x3FAD]  }
0x2b: {  	s6 =	sld [smem:$0x3FAE]  }
0x2c: {  	s7 =	sld [smem:$0x3FAF]  }
0x2d: {  	s3 =	simm.s32 $0x108;
	s8 =	sld [smem:$0x3FB0]  }
0x2e: {  	s3 =	simm.s32 @!p0 $0x1082;
	s9 =	sld [smem:$0x3FB1]  }
0x2f: {  	lr =	sadd.s32 s0, s3;
	s0 =	sld [smem:$0x3FA8]  }
0x30: {  	s3 =	sld [smem:$0x3FAB]  }
0x31: {  	[smem:$0x3FB4] =	sst s10  }
0x32: {  	s10 =	sld [smem:$0x3FB2];
	_ =	sdelay $0x3  }
0x33: {  	p0 =	seq.s32 s10, $0x1;
	s10 =	sld [smem:$0x3FB4];
	_ =	sdelay $0x3  }
0x34: {  	[smem:$0x3FB4] =	sst s10  }
0x35: {  	s10 =	sld [smem:$0x3FB3];
	_ =	sdelay $0x3  }
0x36: {  	p1 =	seq.s32 s10, $0x1;
	s10 =	sld [smem:$0x3FB4];
	_ =	sdelay $0x3  }
0x37: {  	[smem:$0x3FB4] =	sst s10  }
0x38: {  	s10 =	sld [smem:$0x3FB5]  }
0x39: {  	_ = 	snop;
	(pc) =	sbr.ind lr, $3  }
0x3a: {  	_ = 	snop  }
0x3b: {  	_ = 	snop  }
0x3c: {  	p2 =	seq.s32 s10, $0x1;
	s10 =	sld [smem:$0x3FB4]  }
0x3d: {  	_ =	shalt  }
0x3e: {  	_ =	shalt  }
0x3f: {  	_ =	shalt  }
0x40: {  	_ =	shalt  }
0x41: {  	_ =	shalt  }
0x42: {  	_ =	shalt  }
0x43: {  	_ =	shalt  }
0x44: {  	_ =	shalt  }
0x45: {  	_ =	shalt  }
0x46: {  	_ =	shalt  }
0x47: {  	_ =	shalt  }
0x48: {  	_ =	shalt  }
0x49: {  	_ =	shalt  }
0x4a: {  	_ =	shalt  }
0x4b: {  	_ =	shalt  }
0x4c: {  	_ =	shalt  }
0x4d: {  	_ =	shalt  }
0x4e: {  	_ =	shalt  }
0x4f: {  	_ =	shalt  }
0x50: {  	_ =	shalt  }
0x51: {  	_ =	shalt  }
0x52: {  	_ =	shalt  }
0x53: {  	_ =	shalt  }
0x54: {  	_ =	shalt  }
0x55: {  	_ =	shalt  }
0x56: {  	_ =	shalt  }
0x57: {  	_ =	shalt  }
0x58: {  	_ =	shalt  }
0x59: {  	_ =	shalt  }
0x5a: {  	_ =	shalt  }
0x5b: {  	_ =	shalt  }
0x5c: {  	_ =	shalt  }
0x5d: {  	_ =	shalt  }
0x5e: {  	_ =	shalt  }
0x5f: {  	_ =	shalt  }
0x60: {  	_ =	shalt  }
0x61: {  	_ =	shalt  }
0x62: {  	_ =	shalt  }
0x63: {  	_ =	shalt  }
0x64: {  	_ =	shalt  }
0x65: {  	_ =	shalt  }
0x66: {  	_ =	shalt  }
0x67: {  	_ =	shalt  }
0x68: {  	_ =	shalt  }
0x69: {  	_ =	shalt  }
0x6a: {  	_ =	shalt  }
0x6b: {  	_ =	shalt  }
0x6c: {  	_ =	shalt  }
0x6d: {  	_ =	shalt  }
0x6e: {  	_ =	shalt  }
0x6f: {  	_ =	shalt  }
0x70: {  	_ =	shalt  }
0x71: {  	_ =	shalt  }
0x72: {  	_ =	shalt  }
0x73: {  	_ =	shalt  }
0x74: {  	_ =	shalt  }
0x75: {  	_ =	shalt  }
0x76: {  	_ =	shalt  }
0x77: {  	_ =	shalt  }
0x78: {  	_ =	shalt  }
0x79: {  	_ =	shalt  }
0x7a: {  	_ =	shalt  }
0x7b: {  	_ =	shalt  }
0x7c: {  	_ =	shalt  }
0x7d: {  	_ =	shalt  }
0x7e: {  	_ =	shalt  }
0x7f: {  	_ =	shalt  }
0x80: {  	_ =	shalt  }
0x81: {  	_ =	shalt  }
0x82: {  	_ =	shalt  }
0x83: {  	_ =	shalt  }
0x84: {  	_ =	shalt  }
0x85: {  	_ =	shalt  }
0x86: {  	_ =	shalt  }
0x87: {  	_ =	shalt  }
.Lfunc_end0:
.L_simem_size_0:
called_computation_lowered:
.L_overlay_start_0:
0x88: {  	s2 =	sld [smem:$0x3FD9]  }
0x89: {  	s3 =	sld [smem:$0x3FFE];
	_ =	sdelay $0x1  }
0x8a: {  	s1 =	srdreg.scid  }
0x8b: {  	s0 =	sand.u32 $0x1, s1  }
0x8c: {  	s17 =	sshll.u32 s0, $0xA;
	s2 =	sadd.s32 s3, s2  }
0x8d: {  	s2 =	sadd.s32 s2, s17  }
0x8e: {  	[smem:$0x3FC0] =	sst s2  }
0x8f: {  	_ = 	snop  }
0x90: {  	s2 =	sld [smem:$0x3FC9]  }
0x91: {  	s18 =	sld [smem:$0x3FC8]  }
0x92: {  	s4 =	sld [smem:$0x3FC7]  }
0x93: {  	s5 =	sld [smem:$0x3FC6]  }
0x94: {  	s6 =	sld [smem:$0x3FC5];
	(tm) =	ssettm $0x1  }
0x95: {  	s7 =	sld [smem:$0x3FFB];
	_ =	sdelay $0x3  }
0x96: {  	_ =	strace s7  }
0x97: {  	s7 =	sld [smem:$0x3FFC];
	_ =	sdelay $0x3  }
0x98: {  	_ =	strace s7  }
0x99: {  	s7 =	sld [smem:$0x3FFD];
	_ =	sdelay $0x3  }
0x9a: {  	_ =	strace s7  }
0x9b: {  	_ =	strace $0x8FFFFFFF  }
0x9c: {  	s19 =	sld [smem:$0x3FDB];
	_ =	sdelay $0x1  }
0x9d: {  	s8 =	simm.s32 $_scs_section_size  }
0x9e: {  	s9 =	simm.s32 $_size__tile_overlayer_lowered;
	s10 =	simm.s32 $_tile_overlayer_lowered  }
0x9f: {  	s22 =	simm.s32 $0x1BFF;
	s21 =	sshll.u32 s10, $0x1;
	s7 =	sadd.s32 s8, s19  }
0xa0: {  	s11 =	simm.s32 $0x0;
	s20 =	sshll.u32 s9, $0x1;
	s9 =	sadd.s32 s21, s7  }
0xa1: {  	[timem:s11], [sflag:s22] =	dma.local [hbm:s9], s20  }
0xa2: {  	_ =	swait.ge [sflag:s22], s20  }
0xa3: {  	s8 =	ssub.s32 $0x0, s20;
	[sflag:s22] =	ssyncset.done $0x0  }
0xa4: {  	[sflag:s22] =	ssyncadd.s32 s8;
	_ =	sdelay $0x1  }
0xa5: {  	s23 =	simm.s32 $0x1B8B  }
0xa6: {  	_ =	swait.ge [sflag:s23], $0x1  }
0xa7: {  	[sflag:s23] =	ssyncset.done $0x0  }
0xa8: {  	s25 =	simm.s32 $0x1B8E;
	s24 =	sld [smem:$0x3FFE];
	[sflag:s23] =	ssyncadd.s32 $0xFFFFFFFF  }
0xa9: {  	s26 =	simm.s32 $execute0_lowered;
	[smem:$0x3FD2] =	sst s25  }
0xaa: {  	s9 =	sshll.u32 s26, $0x1;
	_ =	strace $0x80000046;
	[dreg:$0x1] =	wrdreg $0xFFFFFFFF  }
0xab: {  	s28 =	simm.s32 $_size_execute0_lowered;
	s7 =	sadd.s32 s7, s9;
	[dreg:$0x0] =	wrdreg $0x0  }
0xac: {  	s9 =	sshll.u32 s28, $0x1;
	[dreg:$0x2] =	wrdreg s7  }
0xad: {  	[dreg:$0x3] =	wrdreg s9  }
0xae: {  	[dreg:$0x4] =	wrdreg $0xC0  }
0xaf: {  	_ =	task [dreg:s11], $0x5FFFF  }
0xb0: {  	[dreg:$0x1] =	wrdreg $0xFFFFFFFF  }
0xb1: {  	[dreg:$0x0] =	wrdreg $0x60  }
0xb2: {  	[dreg:$0x2] =	wrdreg s5  }
0xb3: {  	[dreg:$0x3] =	wrdreg s6  }
0xb4: {  	[dreg:$0x4] =	wrdreg s2  }
0xb5: {  	[dreg:$0x5] =	wrdreg s18  }
0xb6: {  	[dreg:$0x6] =	wrdreg s4  }
0xb7: {  	[dreg:$0x7] =	wrdreg s24  }
0xb8: {  	[dreg:$0x8] =	wrdreg $0x9  }
0xb9: {  	_ =	task.clear_ibuf [dreg:s11], $0x9FFFF;
	_ =	strace $0x90000046  }
0xba: {  	s29 =	simm.s32 $0x9;
	_ =	strace $0x80000048  }
0xbb: {  	_ =	swait.ge [sflag:s29], $0x1  }
0xbc: {  	[sflag:s29] =	ssyncadd.s32 $0xFFFFFFFF  }
0xbd: {  	_ =	strace $0x90000048  }
0xbe: {  	_ =	sfence  }
0xbf: {  	s30 =	sld [smem:$0x0];
	_ =	sdelay $0x2  }
0xc0: {  	s31 =	sshll.u32 s1, $0xD;
	s1 =	sshrl.u32 s1, $0x2  }
0xc1: {  	s3 =	sand.u32 $0x4000, s31;
	s1 =	sadd.s32 s1, s30  }
0xc2: {  	s0 =	sor.u32 s3, s0;
	s1 =	sshll.u32 s1, $0x11  }
0xc3: {  	s0 =	sor.u32 s1, s0  }
0xc4: {  	s0 =	sadd.s32 $0x8F2B, s0  }
0xc5: {  	[sflag:s0] =	ssyncadd.remote.s32 $0x1  }
0xc6: {  	_ =	sfence.sel $0xFFFF  }
0xc7: {  	[dreg:$0x0] =	wrdreg $0xFFFFFFFF;
	(pc) =	sbr.abs _section_cstart, $3  }
0xc8: {  	[dreg:$0x1] =	wrdreg $0xFFFFFFFF  }
0xc9: {  	_ =	task.clear_ibuf [dreg:s11], $0x2FFFF;
	_ =	strace $0x9FFFFFFF  }
0xca: {  	(tm) =	ssettm $0x7FFFFFFF  }
0xcb: {  	_ =	shalt  }
tec
execute0_lowered:
.L_overlay_start_1:
0x0: {  	(tag) =	ssettag $0x1  }
0x1: {  	s4 =	rddreg [dreg:$0x0]  }
0x2: {  	s3 =	rddreg [dreg:$0x1];
	s1 =	srdreg.scid  }
0x3: {  	s5 =	rddreg [dreg:$0x2];
	s0 =	stileid.u32;
	s1 =	sand.u32 $0x1, s1  }
0x4: {  	s6 =	rddreg [dreg:$0x3];
	s7 =	sshll.u32 s0, $0x8;
	s9 =	sshll.u32 s1, $0x7  }
0x5: {  	s8 =	rddreg [dreg:$0x4];
	s16 =	sor.u32 s9, s7  }
0x6: {  	s12 =	rddreg [dreg:$0x5];
	s2 =	simm.s32 $0x0;
	s9 =	sshrl.u32 s16, $0x3  }
0x7: {  	[smem:$0x7FF] =	sst s2;
	s5 =	sadd.s32 s5, s9  }
0x8: {  	_ =	strace $0x80000047;
	[dreg:$0x7] =	wrdreg s5  }
0x9: {  	s5 =	rddreg [dreg:$0x7]  }
0xa: {  	[tilespmem:s2], [sflag:$0x1] =	stream.linear.gather [hbm4b:s5+s2], $0x80, $0x38;
	[tilespmem:$0x10800] =	vst v63  }
0xb: {  	s7 =	simm.s32 $0x180;
	s6 =	sadd.s32 s6, s9  }
0xc: {  	[tilespmem:s7], [sflag:$0x1] =	stream.linear.gather [hbm4b:s6+s2], $0x80, $0x38;
	[tilespmem:$0x10800] =	vst v63  }
0xd: {  	s8 =	sadd.s32 s8, s9;
	s9 =	simm.s32 $0x1;
	s5 =	simm.s32 $0x300  }
0xe: {  	[tilespmem:s5], [sflag:$0x1] =	stream.linear.gather [hbm4b:s8+s2], $0x80, $0x38;
	[tilespmem:$0x10800] =	vst v63  }
0xf: {  	_ =	swait.ge [sflag:s9], $0x80  }
0x10: {  	[sflag:s9] =	ssyncset.done $0x0  }
0x11: {  	[sflag:s9] =	ssyncadd.s32 $0xFFFFFF80  }
0x12: {  	_ =	swait.ge [sflag:s9], $0x80  }
0x13: {  	[sflag:s9] =	ssyncset.done $0x0  }
0x14: {  	[sflag:s9] =	ssyncadd.s32 $0xFFFFFF80  }
0x15: {  	_ =	swait.ge [sflag:s9], $0x80  }
0x16: {  	[sflag:s9] =	ssyncset.done $0x0  }
0x17: {  	[sflag:s9] =	ssyncadd.s32 $0xFFFFFF80  }
0x18: {  	v0 =	vld [tilespmem:$0x370];
	_ =	sdelay $0x1  }
0x19: {  	v1 =	vld [tilespmem:$0x320]  }
0x1a: {  	v2 =	vld [tilespmem:$0x60];
	_ =	sdelay $0x1  }
0x1b: {  	v3 =	vadd.s32 $0x186A0, v0  }
0x1c: {  	v4 =	vld [tilespmem:$0x50];
	v0 =	vadd.s32 $0x30D40, v0;
	[tilespmem:$0x3F0] =	vst v3  }
0x1d: {  	v12 =	vld [tilespmem:$0x0];
	v5 =	vadd.s32 $0x186A0, v1;
	[tilespmem:$0x470] =	vst v0  }
0x1e: {  	v13 =	vld [tilespmem:$0x10];
	v6 =	vadd.s32 $0x30D40, v2;
	[tilespmem:$0x3A0] =	vst v5  }
0x1f: {  	v14 =	vld [tilespmem:$0x1B0];
	v2 =	vadd.s32 $0x186A0, v2;
	[tilespmem:$0x160] =	vst v6  }
0x20: {  	v1 =	vadd.s32 $0x30D40, v1;
	[tilespmem:$0xE0] =	vst v2  }
0x21: {  	v17 =	vld [tilespmem:$0x40];
	v15 =	vadd.s32 $0x30D40, v4;
	[tilespmem:$0x420] =	vst v1  }
0x22: {  	v16 =	vadd.s32 $0x30D40, v12;
	[tilespmem:$0x150] =	vst v15  }
0x23: {  	v20 =	vld [tilespmem:$0x1A0];
	v18 =	vadd.s32 $0x30D40, v13;
	[tilespmem:$0x100] =	vst v16  }
0x24: {  	v19 =	vadd.s32 $0x186A0, v14;
	[tilespmem:$0x110] =	vst v18  }
0x25: {  	v22 =	vld [tilespmem:$0x190];
	v21 =	vadd.s32 $0x186A0, v4;
	[tilespmem:$0x230] =	vst v19  }
0x26: {  	v25 =	vld [tilespmem:$0x30];
	v23 =	vadd.s32 $0x186A0, v17;
	[tilespmem:$0xD0] =	vst v21  }
0x27: {  	v24 =	vadd.s32 $0x30D40, v14;
	[tilespmem:$0xC0] =	vst v23  }
0x28: {  	v28 =	vld [tilespmem:$0x300];
	v26 =	vadd.s32 $0x30D40, v20;
	[tilespmem:$0x2B0] =	vst v24  }
0x29: {  	v29 =	vld [tilespmem:$0x180];
	v27 =	vadd.s32 $0x186A0, v20;
	[tilespmem:$0x2A0] =	vst v26  }
0x2a: {  	v30 =	vadd.s32 $0x186A0, v22;
	[tilespmem:$0x220] =	vst v27  }
0x2b: {  	v33 =	vld [tilespmem:$0x1F0];
	v31 =	vadd.s32 $0x186A0, v25;
	[tilespmem:$0x210] =	vst v30  }
0x2c: {  	v34 =	vld [tilespmem:$0x70];
	v32 =	vadd.s32 $0x30D40, v25;
	[tilespmem:$0xB0] =	vst v31  }
0x2d: {  	v35 =	vadd.s32 $0x30D40, v28;
	[tilespmem:$0x130] =	vst v32  }
0x2e: {  	v37 =	vld [tilespmem:$0x1E0];
	v36 =	vadd.s32 $0x30D40, v29;
	[tilespmem:$0x400] =	vst v35  }
0x2f: {  	v38 =	vld [tilespmem:$0x20];
	v4 =	vadd.s32 $0x186A0, v28;
	[tilespmem:$0x280] =	vst v36  }
0x30: {  	v39 =	vadd.s32 $0x30D40, v33;
	[tilespmem:$0x380] =	vst v4  }
0x31: {  	v42 =	vld [tilespmem:$0x340];
	v40 =	vadd.s32 $0x30D40, v34;
	[tilespmem:$0x2F0] =	vst v39  }
0x32: {  	v43 =	vld [tilespmem:$0x1D0];
	v41 =	vadd.s32 $0x186A0, v34;
	[tilespmem:$0x170] =	vst v40  }
0x33: {  	v44 =	vadd.s32 $0x30D40, v37;
	[tilespmem:$0xF0] =	vst v41  }
0x34: {  	v47 =	vld [tilespmem:$0x330];
	v45 =	vadd.s32 $0x30D40, v38;
	[tilespmem:$0x2E0] =	vst v44  }
0x35: {  	v48 =	vld [tilespmem:$0x1C0];
	v46 =	vadd.s32 $0x186A0, v38;
	[tilespmem:$0x120] =	vst v45  }
0x36: {  	v49 =	vadd.s32 $0x30D40, v42;
	[tilespmem:$0xA0] =	vst v46  }
0x37: {  	v51 =	vld [tilespmem:$0x360];
	v50 =	vadd.s32 $0x30D40, v43;
	[tilespmem:$0x440] =	vst v49  }
0x38: {  	v52 =	vadd.s32 $0x186A0, v43;
	[tilespmem:$0x2D0] =	vst v50  }
0x39: {  	v55 =	vld [tilespmem:$0x310];
	v53 =	vadd.s32 $0x30D40, v47;
	[tilespmem:$0x250] =	vst v52  }
0x3a: {  	v57 =	vld [tilespmem:$0x350];
	v54 =	vadd.s32 $0x30D40, v48;
	[tilespmem:$0x430] =	vst v53  }
0x3b: {  	v56 =	vadd.s32 $0x186A0, v47;
	[tilespmem:$0x2C0] =	vst v54  }
0x3c: {  	v58 =	vadd.s32 $0x30D40, v51;
	[tilespmem:$0x3B0] =	vst v56  }
0x3d: {  	v59 =	vadd.s32 $0x186A0, v51;
	[tilespmem:$0x460] =	vst v58  }
0x3e: {  	v60 =	vadd.s32 $0x30D40, v55;
	[tilespmem:$0x3E0] =	vst v59  }
0x3f: {  	v61 =	vadd.s32 $0x186A0, v57;
	[tilespmem:$0x410] =	vst v60  }
0x40: {  	v62 =	vadd.s32 $0x186A0, v55;
	[tilespmem:$0x3D0] =	vst v61  }
0x41: {  	v63 =	vadd.s32 $0x30D40, v57;
	[tilespmem:$0x390] =	vst v62  }
0x42: {  	v3 =	vadd.s32 $0x186A0, v12;
	[tilespmem:$0x450] =	vst v63  }
0x43: {  	v0 =	vadd.s32 $0x186A0, v13;
	[tilespmem:$0x80] =	vst v3  }
0x44: {  	v2 =	vadd.s32 $0x30D40, v17;
	[tilespmem:$0x90] =	vst v0  }
0x45: {  	v1 =	vadd.s32 $0x30D40, v22;
	[tilespmem:$0x140] =	vst v2  }
0x46: {  	[tilespmem:$0x290] =	vst v1;
	v0 =	vadd.s32 $0x186A0, v29  }
0x47: {  	v3 =	vadd.s32 $0x186A0, v33;
	[tilespmem:$0x200] =	vst v0  }
0x48: {  	v1 =	vadd.s32 $0x186A0, v37;
	[tilespmem:$0x270] =	vst v3  }
0x49: {  	v2 =	vadd.s32 $0x186A0, v42;
	[tilespmem:$0x260] =	vst v1  }
0x4a: {  	[tilespmem:$0x3C0] =	vst v2;
	v1 =	vadd.s32 $0x186A0, v48  }
0x4b: {  	s13 =	simm.s32 $0x80;
	s10 =	simm.s32 $0x800;
	[tilespmem:$0x240] =	vst v1  }
0x4c: {  	[tilespmem:s10], [sflag:$0x2] =	stream.indirect.gather [hbm4b:s4+s13], $0x80, s2, s13, $0xb8;
	[tilespmem:$0x10800] =	vst v63  }
0x4d: {  	s15 =	simm.s32 $0x4800  }
0x4e: {  	[tilespmem:s15], [sflag:$0x2] =	stream.indirect.gather [hbm4b:s4+s13], $0x80, s13, s13, $0xb8;
	[tilespmem:$0x10800] =	vst v63  }
0x4f: {  	s17 =	simm.s32 $0x100;
	s14 =	simm.s32 $0x8800;
	s11 =	simm.s32 $0x2  }
0x50: {  	[tilespmem:s14], [sflag:$0x2] =	stream.indirect.gather [hbm4b:s4+s13], $0x80, s17, s13, $0xb8;
	[tilespmem:$0x10800] =	vst v63  }
0x51: {  	s16 =	sshll.u32 s16, $0x4;
	_ =	swait.ge [sflag:s11], $0x4000  }
0x52: {  	s18 =	sadd.s32 s16, s12;
	[sflag:s11] =	ssyncset.done $0x0  }
0x53: {  	s19 =	sadd.s32 $0x2200, s18;
	[sflag:s11] =	ssyncadd.s32 $0xFFFFC000  }
0x54: {  	[hbm4b:s19+s2] =	stream.linear.scatter [tilespmem:s10], [sflag:$0x3], $0x4000, $0x38;
	[tilespmem:$0x10800] =	vst v63  }
0x55: {  	s16 =	simm.s32 $0xC800  }
0x56: {  	[tilespmem:s16], [sflag:$0x2] =	stream.indirect.gather [hbm4b:s3+s13], $0x80, s7, s13, $0xb8;
	[tilespmem:$0x10800] =	vst v63  }
0x57: {  	_ =	swait.ge [sflag:s11], $0x4000  }
0x58: {  	[sflag:s11] =	ssyncset.done $0x0  }
0x59: {  	s12 =	simm.s32 $0x3;
	s22 =	sadd.s32 $0x12200, s18;
	[sflag:s11] =	ssyncadd.s32 $0xFFFFC000  }
0x5a: {  	[hbm4b:s22+s2] =	stream.linear.scatter [tilespmem:s15], [sflag:$0x3], $0x4000, $0x38;
	[tilespmem:$0x10800] =	vst v63  }
0x5b: {  	_ =	swait.ge [sflag:s12], $0x4000  }
0x5c: {  	s1 =	ssub.s32 $0x2, s1;
	[sflag:s12] =	ssyncset.done $0x0  }
0x5d: {  	s24 =	simm.s32 $0x200;
	s20 =	sshrl.u32 s1, $0x1;
	[sflag:s12] =	ssyncadd.s32 $0xFFFFC000  }
0x5e: {  	[tilespmem:s10], [sflag:$0x2] =	stream.indirect.gather [hbm4b:s3+s13], $0x80, s24, s13, $0xb8;
	[tilespmem:$0x10800] =	vst v63  }
0x5f: {  	s31 =	simm.s32 $0x280;
	s1 =	ssub.s32 s1, s20;
	_ =	swait.ge [sflag:s11], $0x4000  }
0x60: {  	s30 =	simm.s32 $0x380;
	s1 =	smax.u32 s1, $0x1;
	[sflag:s11] =	ssyncset.done $0x0  }
0x61: {  	s28 =	sadd.s32 $0x22200, s18;
	p0 =	sne.s32 s1, $0x1;
	[sflag:s11] =	ssyncadd.s32 $0xFFFFC000  }
0x62: {  	[hbm4b:s28+s2] =	stream.linear.scatter [tilespmem:s14], [sflag:$0x3], $0x4000, $0x38;
	[tilespmem:$0x10800] =	vst v63  }
.Ltmp0:
0x63: {  	s25 =	simm.s32 $0x400;
	s29 =	sadd.s32 $0x32200, s18;
	(pc) =	sbr.rel @!p0 .LBB2_2-.Ltmp0, $4  }
0x64: {  	s26 =	sadd.s32 $0x42200, s18;
	s23 =	sadd.s32 $0x52200, s18;
	_ =	swait.ge [sflag:s12], $0x4000  }
0x65: {  	s21 =	sadd.s32 $0x62200, s18;
	s20 =	sadd.s32 $0x72200, s18;
	[sflag:s12] =	ssyncset.done $0x0  }
0x66: {  	s18 =	sadd.s32 $0x82200, s18;
	s1 =	sadd.s32 $0xFFFFFFFF, s1;
	[sflag:s12] =	ssyncadd.s32 $0xFFFFC000  }
0x67: {  	[tilespmem:s15], [sflag:$0x2] =	stream.indirect.gather [hbm4b:s3+s13], $0x80, s31, s13, $0xb8;
	[tilespmem:$0x10800] =	vst v63  }
.LBB2_1:
0x68: {  	_ =	swait.ge [sflag:s11], $0x4000  }
0x69: {  	[sflag:s11] =	ssyncset.done $0x0  }
0x6a: {  	[sflag:s11] =	ssyncadd.s32 $0xFFFFC000  }
0x6b: {  	[hbm4b:s29+s2] =	stream.linear.scatter [tilespmem:s16], [sflag:$0x3], $0x4000, $0x38;
	[tilespmem:$0x10800] =	vst v63  }
0x6c: {  	_ =	swait.ge [sflag:s12], $0x4000  }
0x6d: {  	[sflag:s12] =	ssyncset.done $0x0  }
0x6e: {  	[sflag:s12] =	ssyncadd.s32 $0xFFFFC000  }
0x6f: {  	[tilespmem:s14], [sflag:$0x2] =	stream.indirect.gather [hbm4b:s3+s13], $0x80, s5, s13, $0xb8;
	[tilespmem:$0x10800] =	vst v63  }
0x70: {  	_ =	swait.ge [sflag:s11], $0x4000  }
0x71: {  	[sflag:s11] =	ssyncset.done $0x0  }
0x72: {  	[sflag:s11] =	ssyncadd.s32 $0xFFFFC000  }
0x73: {  	[hbm4b:s26+s2] =	stream.linear.scatter [tilespmem:s10], [sflag:$0x3], $0x4000, $0x38;
	[tilespmem:$0x10800] =	vst v63  }
0x74: {  	_ =	swait.ge [sflag:s12], $0x4000  }
0x75: {  	[sflag:s12] =	ssyncset.done $0x0  }
0x76: {  	[sflag:s12] =	ssyncadd.s32 $0xFFFFC000  }
0x77: {  	[tilespmem:s16], [sflag:$0x2] =	stream.indirect.gather [hbm4b:s3+s13], $0x80, s30, s13, $0xb8;
	[tilespmem:$0x10800] =	vst v63  }
0x78: {  	_ =	swait.ge [sflag:s11], $0x4000  }
0x79: {  	[sflag:s11] =	ssyncset.done $0x0  }
0x7a: {  	[sflag:s11] =	ssyncadd.s32 $0xFFFFC000  }
0x7b: {  	[hbm4b:s23+s2] =	stream.linear.scatter [tilespmem:s15], [sflag:$0x3], $0x4000, $0x38;
	[tilespmem:$0x10800] =	vst v63  }
0x7c: {  	_ =	swait.ge [sflag:s12], $0x4000  }
0x7d: {  	[sflag:s12] =	ssyncset.done $0x0  }
0x7e: {  	[sflag:s12] =	ssyncadd.s32 $0xFFFFC000  }
0x7f: {  	[tilespmem:s10], [sflag:$0x2] =	stream.indirect.gather [hbm4b:s3+s13], $0x80, s25, s13, $0xb8;
	[tilespmem:$0x10800] =	vst v63  }
0x80: {  	_ =	swait.ge [sflag:s11], $0x4000  }
0x81: {  	[sflag:s11] =	ssyncset.done $0x0  }
0x82: {  	[sflag:s11] =	ssyncadd.s32 $0xFFFFC000  }
0x83: {  	[hbm4b:s21+s2] =	stream.linear.scatter [tilespmem:s14], [sflag:$0x3], $0x4000, $0x38;
	[tilespmem:$0x10800] =	vst v63  }
0x84: {  	_ =	swait.ge [sflag:s11], $0x4000  }
0x85: {  	[sflag:s11] =	ssyncset.done $0x0  }
0x86: {  	[sflag:s11] =	ssyncadd.s32 $0xFFFFC000  }
0x87: {  	[hbm4b:s20+s2] =	stream.linear.scatter [tilespmem:s16], [sflag:$0x3], $0x4000, $0x38;
	[tilespmem:$0x10800] =	vst v63  }
0x88: {  	_ =	swait.ge [sflag:s11], $0x4000  }
0x89: {  	[sflag:s11] =	ssyncset.done $0x0  }
0x8a: {  	[sflag:s11] =	ssyncadd.s32 $0xFFFFC000  }
0x8b: {  	[hbm4b:s18+s2] =	stream.linear.scatter [tilespmem:s10], [sflag:$0x3], $0x4000, $0x38;
	[tilespmem:$0x10800] =	vst v63  }
0x8c: {  	_ =	swait.ge [sflag:s12], $0x4000  }
0x8d: {  	[sflag:s12] =	ssyncset.done $0x0  }
0x8e: {  	[sflag:s12] =	ssyncadd.s32 $0xFFFFC000  }
0x8f: {  	_ =	swait.ge [sflag:s12], $0x4000  }
0x90: {  	[sflag:s12] =	ssyncset.done $0x0  }
0x91: {  	[sflag:s12] =	ssyncadd.s32 $0xFFFFC000  }
0x92: {  	_ =	swait.ge [sflag:s12], $0x4000  }
0x93: {  	[sflag:s12] =	ssyncset.done $0x0  }
0x94: {  	[sflag:s12] =	ssyncadd.s32 $0xFFFFC000  }
0x95: {  	_ =	swait.ge [sflag:s12], $0x4000  }
0x96: {  	[sflag:s12] =	ssyncset.done $0x0  }
0x97: {  	s0 =	rddreg [dreg:$0x7];
	[sflag:s12] =	ssyncadd.s32 $0xFFFFC000  }
0x98: {  	[tilespmem:s2], [sflag:$0x1] =	stream.linear.gather [hbm4b:s0+s2], $0x80, $0x38;
	[tilespmem:$0x10800] =	vst v63  }
0x99: {  	_ = 	snop  }
0x9a: {  	[tilespmem:s7], [sflag:$0x1] =	stream.linear.gather [hbm4b:s6+s2], $0x80, $0x38;
	[tilespmem:$0x10800] =	vst v63  }
0x9b: {  	_ = 	snop  }
0x9c: {  	[tilespmem:s5], [sflag:$0x1] =	stream.linear.gather [hbm4b:s8+s2], $0x80, $0x38;
	[tilespmem:$0x10800] =	vst v63  }
0x9d: {  	_ =	swait.ge [sflag:s9], $0x80  }
0x9e: {  	[sflag:s9] =	ssyncset.done $0x0  }
0x9f: {  	[sflag:s9] =	ssyncadd.s32 $0xFFFFFF80  }
0xa0: {  	_ =	swait.ge [sflag:s9], $0x80  }
0xa1: {  	[sflag:s9] =	ssyncset.done $0x0  }
0xa2: {  	[sflag:s9] =	ssyncadd.s32 $0xFFFFFF80  }
0xa3: {  	_ =	swait.ge [sflag:s9], $0x80  }
0xa4: {  	[sflag:s9] =	ssyncset.done $0x0  }
0xa5: {  	[sflag:s9] =	ssyncadd.s32 $0xFFFFFF80  }
0xa6: {  	v0 =	vld [tilespmem:$0x370];
	_ =	sdelay $0x1  }
0xa7: {  	v1 =	vld [tilespmem:$0x320]  }
0xa8: {  	v3 =	vld [tilespmem:$0x60];
	_ =	sdelay $0x1  }
0xa9: {  	v6 =	vadd.s32 $0x186A0, v0  }
0xaa: {  	v2 =	vld [tilespmem:$0x50];
	v0 =	vadd.s32 $0x30D40, v0;
	[tilespmem:$0x3F0] =	vst v6  }
0xab: {  	v5 =	vld [tilespmem:$0x0];
	v8 =	vadd.s32 $0x186A0, v1;
	[tilespmem:$0x470] =	vst v0  }
0xac: {  	v4 =	vld [tilespmem:$0x10];
	v28 =	vadd.s32 $0x186A0, v3;
	v3 =	vadd.s32 $0x30D40, v3;
	[tilespmem:$0x3A0] =	vst v8  }
0xad: {  	v9 =	vld [tilespmem:$0x1B0];
	[tilespmem:$0x160] =	vst v3  }
0xae: {  	v1 =	vadd.s32 $0x30D40, v1;
	[tilespmem:$0xE0] =	vst v28  }
0xaf: {  	v31 =	vadd.s32 $0x30D40, v2;
	[tilespmem:$0x420] =	vst v1  }
0xb0: {  	v10 =	vadd.s32 $0x186A0, v5;
	v5 =	vadd.s32 $0x30D40, v5;
	[tilespmem:$0x150] =	vst v31  }
0xb1: {  	v7 =	vld [tilespmem:$0x40];
	v29 =	vadd.s32 $0x186A0, v4;
	v4 =	vadd.s32 $0x30D40, v4;
	[tilespmem:$0x100] =	vst v5  }
0xb2: {  	v35 =	vadd.s32 $0x186A0, v9;
	[tilespmem:$0x110] =	vst v4  }
0xb3: {  	v30 =	vld [tilespmem:$0x1A0];
	[tilespmem:$0x230] =	vst v35  }
0xb4: {  	v11 =	vadd.s32 $0x186A0, v2;
	[tilespmem:$0x80] =	vst v10  }
0xb5: {  	v32 =	vld [tilespmem:$0x190];
	[tilespmem:$0xD0] =	vst v11  }
0xb6: {  	v12 =	vadd.s32 $0x186A0, v7;
	[tilespmem:$0x90] =	vst v29  }
0xb7: {  	v27 =	vld [tilespmem:$0x30];
	v9 =	vadd.s32 $0x30D40, v9;
	[tilespmem:$0xC0] =	vst v12  }
0xb8: {  	v42 =	vld [tilespmem:$0x300];
	v36 =	vadd.s32 $0x186A0, v30;
	[tilespmem:$0x2B0] =	vst v9  }
0xb9: {  	v13 =	vld [tilespmem:$0x180];
	v7 =	vadd.s32 $0x30D40, v7;
	[tilespmem:$0x220] =	vst v36  }
0xba: {  	v15 =	vadd.s32 $0x186A0, v32;
	[tilespmem:$0x140] =	vst v7  }
0xbb: {  	v2 =	vadd.s32 $0x30D40, v32;
	[tilespmem:$0x210] =	vst v15  }
0xbc: {  	v14 =	vld [tilespmem:$0x70];
	v33 =	vadd.s32 $0x186A0, v27;
	[tilespmem:$0x290] =	vst v2  }
0xbd: {  	v43 =	vld [tilespmem:$0x1F0];
	v48 =	vadd.s32 $0x30D40, v42;
	[tilespmem:$0xB0] =	vst v33  }
0xbe: {  	v38 =	vadd.s32 $0x30D40, v13;
	[tilespmem:$0x400] =	vst v48  }
0xbf: {  	v44 =	vld [tilespmem:$0x1E0];
	v47 =	vadd.s32 $0x186A0, v42;
	[tilespmem:$0x280] =	vst v38  }
0xc0: {  	v34 =	vld [tilespmem:$0x20];
	v37 =	vadd.s32 $0x186A0, v13;
	[tilespmem:$0x380] =	vst v47  }
0xc1: {  	v53 =	vld [tilespmem:$0x340];
	v40 =	vadd.s32 $0x30D40, v14;
	[tilespmem:$0x200] =	vst v37  }
0xc2: {  	v45 =	vld [tilespmem:$0x1D0];
	v49 =	vadd.s32 $0x186A0, v43;
	[tilespmem:$0x170] =	vst v40  }
0xc3: {  	v54 =	vld [tilespmem:$0x330];
	v39 =	vadd.s32 $0x186A0, v14;
	[tilespmem:$0x270] =	vst v49  }
0xc4: {  	v59 =	vld [tilespmem:$0x360];
	v50 =	vadd.s32 $0x186A0, v44;
	[tilespmem:$0xF0] =	vst v39  }
0xc5: {  	v46 =	vld [tilespmem:$0x1C0];
	v41 =	vadd.s32 $0x186A0, v34;
	[tilespmem:$0x260] =	vst v50  }
0xc6: {  	v56 =	vadd.s32 $0x186A0, v53;
	[tilespmem:$0xA0] =	vst v41  }
0xc7: {  	v60 =	vld [tilespmem:$0x350];
	v51 =	vadd.s32 $0x186A0, v45;
	[tilespmem:$0x3C0] =	vst v56  }
0xc8: {  	v55 =	vld [tilespmem:$0x310];
	v57 =	vadd.s32 $0x186A0, v54;
	[tilespmem:$0x250] =	vst v51  }
0xc9: {  	v62 =	vadd.s32 $0x30D40, v59;
	[tilespmem:$0x3B0] =	vst v57  }
0xca: {  	v52 =	vadd.s32 $0x186A0, v46;
	[tilespmem:$0x460] =	vst v62  }
0xcb: {  	v61 =	vadd.s32 $0x186A0, v59;
	[tilespmem:$0x240] =	vst v52  }
0xcc: {  	v63 =	vadd.s32 $0x186A0, v60;
	[tilespmem:$0x3E0] =	vst v61  }
0xcd: {  	v58 =	vadd.s32 $0x186A0, v55;
	[tilespmem:$0x3D0] =	vst v63  }
0xce: {  	v3 =	vadd.s32 $0x30D40, v30;
	[tilespmem:$0x390] =	vst v58  }
0xcf: {  	v6 =	vadd.s32 $0x30D40, v27;
	[tilespmem:$0x2A0] =	vst v3  }
0xd0: {  	v4 =	vadd.s32 $0x30D40, v43;
	[tilespmem:$0x130] =	vst v6  }
0xd1: {  	v7 =	vadd.s32 $0x30D40, v44;
	[tilespmem:$0x2F0] =	vst v4  }
0xd2: {  	v0 =	vadd.s32 $0x30D40, v34;
	[tilespmem:$0x2E0] =	vst v7  }
0xd3: {  	v1 =	vadd.s32 $0x30D40, v53;
	[tilespmem:$0x120] =	vst v0  }
0xd4: {  	v9 =	vadd.s32 $0x30D40, v45;
	[tilespmem:$0x440] =	vst v1  }
0xd5: {  	v12 =	vadd.s32 $0x30D40, v46;
	[tilespmem:$0x2D0] =	vst v9  }
0xd6: {  	v3 =	vadd.s32 $0x30D40, v54;
	[tilespmem:$0x2C0] =	vst v12  }
0xd7: {  	v4 =	vadd.s32 $0x30D40, v55;
	[tilespmem:$0x430] =	vst v3  }
0xd8: {  	v1 =	vadd.s32 $0x30D40, v60;
	[tilespmem:$0x410] =	vst v4  }
0xd9: {  	[tilespmem:$0x450] =	vst v1  }
0xda: {  	[tilespmem:s10], [sflag:$0x2] =	stream.indirect.gather [hbm4b:s4+s13], $0x80, s2, s13, $0xb8;
	[tilespmem:$0x10800] =	vst v63  }
0xdb: {  	_ = 	snop  }
0xdc: {  	[tilespmem:s15], [sflag:$0x2] =	stream.indirect.gather [hbm4b:s4+s13], $0x80, s13, s13, $0xb8;
	[tilespmem:$0x10800] =	vst v63  }
0xdd: {  	_ = 	snop  }
0xde: {  	[tilespmem:s14], [sflag:$0x2] =	stream.indirect.gather [hbm4b:s4+s13], $0x80, s17, s13, $0xb8;
	[tilespmem:$0x10800] =	vst v63  }
0xdf: {  	_ =	swait.ge [sflag:s11], $0x4000  }
0xe0: {  	[sflag:s11] =	ssyncset.done $0x0  }
0xe1: {  	[sflag:s11] =	ssyncadd.s32 $0xFFFFC000  }
0xe2: {  	[hbm4b:s19+s2] =	stream.linear.scatter [tilespmem:s10], [sflag:$0x3], $0x4000, $0x38;
	[tilespmem:$0x10800] =	vst v63  }
0xe3: {  	_ = 	snop  }
0xe4: {  	[tilespmem:s16], [sflag:$0x2] =	stream.indirect.gather [hbm4b:s3+s13], $0x80, s7, s13, $0xb8;
	[tilespmem:$0x10800] =	vst v63  }
0xe5: {  	_ =	swait.ge [sflag:s11], $0x4000  }
0xe6: {  	[sflag:s11] =	ssyncset.done $0x0  }
0xe7: {  	[sflag:s11] =	ssyncadd.s32 $0xFFFFC000  }
0xe8: {  	[hbm4b:s22+s2] =	stream.linear.scatter [tilespmem:s15], [sflag:$0x3], $0x4000, $0x38;
	[tilespmem:$0x10800] =	vst v63  }
0xe9: {  	_ =	swait.ge [sflag:s12], $0x4000  }
0xea: {  	[sflag:s12] =	ssyncset.done $0x0  }
0xeb: {  	[sflag:s12] =	ssyncadd.s32 $0xFFFFC000  }
0xec: {  	[tilespmem:s10], [sflag:$0x2] =	stream.indirect.gather [hbm4b:s3+s13], $0x80, s24, s13, $0xb8;
	[tilespmem:$0x10800] =	vst v63  }
0xed: {  	_ =	swait.ge [sflag:s11], $0x4000  }
0xee: {  	[sflag:s11] =	ssyncset.done $0x0  }
0xef: {  	p0 =	sne.s32 s1, $0x1;
	[sflag:s11] =	ssyncadd.s32 $0xFFFFC000  }
0xf0: {  	[hbm4b:s28+s2] =	stream.linear.scatter [tilespmem:s14], [sflag:$0x3], $0x4000, $0x38;
	[tilespmem:$0x10800] =	vst v63  }
.Ltmp1:
0xf1: {  	_ = 	snop;
	(pc) =	sbr.rel @p0 .LBB2_1-.Ltmp1, $4  }
0xf2: {  	_ =	swait.ge [sflag:s12], $0x4000  }
0xf3: {  	[sflag:s12] =	ssyncset.done $0x0  }
0xf4: {  	s1 =	sadd.s32 $0xFFFFFFFF, s1;
	[sflag:s12] =	ssyncadd.s32 $0xFFFFC000  }
0xf5: {  	[tilespmem:s15], [sflag:$0x2] =	stream.indirect.gather [hbm4b:s3+s13], $0x80, s31, s13, $0xb8;
	[tilespmem:$0x10800] =	vst v63  }
.LBB2_2:
0xf6: {  	_ =	swait.ge [sflag:s11], $0x4000  }
0xf7: {  	[sflag:s11] =	ssyncset.done $0x0  }
0xf8: {  	[sflag:s11] =	ssyncadd.s32 $0xFFFFC000  }
0xf9: {  	[hbm4b:s29+s2] =	stream.linear.scatter [tilespmem:s16], [sflag:$0x3], $0x4000, $0x38;
	[tilespmem:$0x10800] =	vst v63  }
0xfa: {  	_ =	swait.ge [sflag:s12], $0x4000  }
0xfb: {  	[sflag:s12] =	ssyncset.done $0x0  }
0xfc: {  	[sflag:s12] =	ssyncadd.s32 $0xFFFFC000  }
0xfd: {  	[tilespmem:s14], [sflag:$0x2] =	stream.indirect.gather [hbm4b:s3+s13], $0x80, s5, s13, $0xb8;
	[tilespmem:$0x10800] =	vst v63  }
0xfe: {  	_ =	swait.ge [sflag:s11], $0x4000  }
0xff: {  	[sflag:s11] =	ssyncset.done $0x0  }
0x100: {  	[sflag:s11] =	ssyncadd.s32 $0xFFFFC000  }
0x101: {  	[hbm4b:s26+s2] =	stream.linear.scatter [tilespmem:s10], [sflag:$0x3], $0x4000, $0x38;
	[tilespmem:$0x10800] =	vst v63  }
0x102: {  	_ =	swait.ge [sflag:s12], $0x4000  }
0x103: {  	[sflag:s12] =	ssyncset.done $0x0  }
0x104: {  	[sflag:s12] =	ssyncadd.s32 $0xFFFFC000  }
0x105: {  	[tilespmem:s16], [sflag:$0x2] =	stream.indirect.gather [hbm4b:s3+s13], $0x80, s30, s13, $0xb8;
	[tilespmem:$0x10800] =	vst v63  }
0x106: {  	_ =	swait.ge [sflag:s11], $0x4000  }
0x107: {  	[sflag:s11] =	ssyncset.done $0x0  }
0x108: {  	[sflag:s11] =	ssyncadd.s32 $0xFFFFC000  }
0x109: {  	[hbm4b:s23+s2] =	stream.linear.scatter [tilespmem:s15], [sflag:$0x3], $0x4000, $0x38;
	[tilespmem:$0x10800] =	vst v63  }
0x10a: {  	_ =	swait.ge [sflag:s12], $0x4000  }
0x10b: {  	[sflag:s12] =	ssyncset.done $0x0  }
0x10c: {  	[sflag:s12] =	ssyncadd.s32 $0xFFFFC000  }
0x10d: {  	[tilespmem:s10], [sflag:$0x2] =	stream.indirect.gather [hbm4b:s3+s13], $0x80, s25, s13, $0xb8;
	[tilespmem:$0x10800] =	vst v63  }
0x10e: {  	_ =	swait.ge [sflag:s11], $0x4000  }
0x10f: {  	[sflag:s11] =	ssyncset.done $0x0  }
0x110: {  	[sflag:s11] =	ssyncadd.s32 $0xFFFFC000  }
0x111: {  	[hbm4b:s21+s2] =	stream.linear.scatter [tilespmem:s14], [sflag:$0x3], $0x4000, $0x38;
	[tilespmem:$0x10800] =	vst v63  }
0x112: {  	_ =	swait.ge [sflag:s11], $0x4000  }
0x113: {  	[sflag:s11] =	ssyncset.done $0x0  }
0x114: {  	[sflag:s11] =	ssyncadd.s32 $0xFFFFC000  }
0x115: {  	[hbm4b:s20+s2] =	stream.linear.scatter [tilespmem:s16], [sflag:$0x3], $0x4000, $0x38;
	[tilespmem:$0x10800] =	vst v63  }
0x116: {  	_ =	swait.ge [sflag:s11], $0x4000  }
0x117: {  	[sflag:s11] =	ssyncset.done $0x0  }
0x118: {  	[sflag:s11] =	ssyncadd.s32 $0xFFFFC000  }
0x119: {  	[hbm4b:s18+s2] =	stream.linear.scatter [tilespmem:s10], [sflag:$0x3], $0x4000, $0x38;
	[tilespmem:$0x10800] =	vst v63  }
0x11a: {  	_ =	swait.ge [sflag:s12], $0x4000  }
0x11b: {  	[sflag:s12] =	ssyncset.done $0x0  }
0x11c: {  	[sflag:s12] =	ssyncadd.s32 $0xFFFFC000  }
0x11d: {  	_ =	swait.ge [sflag:s12], $0x4000  }
0x11e: {  	[sflag:s12] =	ssyncset.done $0x0  }
0x11f: {  	[sflag:s12] =	ssyncadd.s32 $0xFFFFC000  }
0x120: {  	_ =	swait.ge [sflag:s12], $0x4000  }
0x121: {  	[sflag:s12] =	ssyncset.done $0x0  }
0x122: {  	[sflag:s12] =	ssyncadd.s32 $0xFFFFC000  }
0x123: {  	_ =	swait.ge [sflag:s12], $0x4000  }
0x124: {  	[sflag:s12] =	ssyncset.done $0x0  }
0x125: {  	[sflag:s12] =	ssyncadd.s32 $0xFFFFC000  }
0x126: {  	_ =	sfence.sel $0x180000  }
0x127: {  	[bflag:$0x0] =	sbarrier.arrive $0xFFFF  }
0x128: {  	_ =	strace $0x90000047  }
0x129: {  	s0 =	stileid.u32;
	[bflag:$0x2] =	sbarrier.arrive $0xFFFF  }
0x12a: {  	p0 =	sne.s32 s0, $0x0;
	s0 =	rddreg [dreg:$0x6]  }
0x12b: {  	s0 =	sadd.s32 @!p0 $0x100000, s0  }
0x12c: {  	[sflag:s0] =	ssyncadd.tile.s32 @!p0 $0x1;
	_ =	shalt  }
.Lfunc_end2:
_tile_overlayer_lowered:
.L_overlay_start_2:
0x12d: {  	(tag) =	ssettag $0x2  }
0x12e: {  	s0 =	rddreg [dreg:$0x0];
	s2 =	stileid.u32  }
0x12f: {  	s1 =	rddreg [dreg:$0x1];
	p0 =	sne.s32 s2, $0x0  }
0x130: {  	s3 =	rddreg [dreg:$0x2];
	[bflag:$0x3] =	sbarrier.arrive $0xFFFF;
	s2 =	simm.s32 @!p0 $0x1C04  }
0x131: {  	[timem:s3], [sflag:s2] =	dma.local @!p0 [hbm:s0], s1  }
0x132: {  	s0 =	simm.s32 @!p0 $0x4  }
0x133: {  	_ =	swait.ge @!p0 [sflag:s0], s1  }
0x134: {  	s1 =	ssub.s32 @!p0 $0x0, s1;
	[sflag:s0] =	ssyncset.done @!p0 $0x0  }
0x135: {  	[sflag:s0] =	ssyncadd.s32 @!p0 s1  }
0x136: {  	[bflag:$0x3] =	sbarrier.arrive $0xFFFF  }
0x137: {  	_ =	shalt  }

</sc_bundles>
